<compile_context>
chip_gen: v7x
topology: tpu7x:2x2x1
jax: 0.10.2.dev20260603
libtpu: 0.0.44.dev20260713+nightly
codegen_flags: <defaults>
</compile_context>

<pallas_src>
import functools

import jax
import jax.numpy as jnp
from jax import lax
from jax.experimental import pallas as pl
from jax.experimental.pallas import tpu as pltpu
from jax.experimental.pallas import tpu_sc as plsc

D_VOCAB = 100000
D_MODEL = 768
BATCH = 4
SEQ = 2048

NC = 2
NS = 16
NW = NC * NS

B_TOTAL = BATCH * SEQ
B_PER_W = B_TOTAL // NW
W_PER_BATCH = NW // BATCH
CHUNK = 32
N_CHUNKS = B_PER_W // CHUNK
NBUF = 5
LEAD = NBUF - 1


@functools.partial(
    pl.kernel,
    out_type=jax.ShapeDtypeStruct((BATCH, SEQ, D_MODEL), jnp.float32),
    mesh=plsc.VectorSubcoreMesh(core_axis_name="c", subcore_axis_name="s"),
    compiler_params=pltpu.CompilerParams(
        disable_bounds_checks=True, disable_semaphore_checks=True
    ),
    scratch_types=(
        [pltpu.VMEM((B_PER_W,), jnp.int32)]
        + [pltpu.VMEM((CHUNK, D_MODEL), jnp.float32) for _ in range(NBUF)]
        + [pltpu.SemaphoreType.DMA for _ in range(2 * NBUF)]
    ),
)
def _embed_sc(idx_hbm, table_hbm, out_hbm, idx_v, *bufs_and_sems):
    bufs = bufs_and_sems[:NBUF]
    sgs = bufs_and_sems[NBUF : 2 * NBUF]
    sws = bufs_and_sems[2 * NBUF :]
    wid = lax.axis_index("s") * NC + lax.axis_index("c")
    bi = wid // W_PER_BATCH
    s0 = (wid % W_PER_BATCH) * B_PER_W
    pltpu.sync_copy(idx_hbm.at[bi, pl.ds(s0, B_PER_W)], idx_v)

    def gather(c):
        b = c % NBUF
        return pltpu.async_copy(
            table_hbm.at[idx_v.at[pl.ds(c * CHUNK, CHUNK)]], bufs[b], sgs[b]
        )

    g = [None] * N_CHUNKS
    w = [None] * N_CHUNKS
    waited = set()
    for c in range(min(LEAD, N_CHUNKS)):
        g[c] = gather(c)
    for c in range(N_CHUNKS):
        b = c % NBUF
        g[c].wait()
        w[c] = pltpu.async_copy(
            bufs[b], out_hbm.at[bi].at[pl.ds(s0 + c * CHUNK, CHUNK)], sws[b]
        )
        nxt = c + LEAD
        if nxt < N_CHUNKS:
            prev = nxt - NBUF
            if prev >= 0:
                w[prev].wait()
                waited.add(prev)
            g[nxt] = gather(nxt)
    for c in range(N_CHUNKS):
        if c not in waited:
            w[c].wait()


def kernel(tokens, W_E):
    return _embed_sc(tokens.astype(jnp.int32), W_E)

# --- scband reference (transcript-rebuilt; emitter-appended) ---
"""Pipeline reference for scband-embed-62148176773263 (READ-ONLY COPY).

The authoritative reference and input builder live on the scoring server;
editing this copy changes nothing except your own understanding.
"""

import jax, jax.numpy as jnp
import numpy as np

D_VOCAB = 100000
D_MODEL = 768
BATCH = 4
SEQ = 2048

def setup_inputs(seed: int = 0) -> dict:
    key = jax.random.key(seed)
    k_tok, k_we = jax.random.split(key)
    tokens = jax.random.randint(k_tok, (BATCH, SEQ), 0, D_VOCAB, dtype=jnp.int64 if jax.config.jax_enable_x64 else jnp.int32)
    W_E = jax.random.normal(k_we, (D_VOCAB, D_MODEL), dtype=jnp.float32) * 0.02
    return {"tokens": tokens, "W_E": W_E}

def reference(tokens, W_E):
    # Embed.__call__ with post_embedding_ln=False: embedding = W_E[tokens, :]
    embedding = jnp.take(W_E, tokens, axis=0)
    return embedding

if __name__ == "__main__":
    import jax
    _d = setup_inputs()
    print(jax.jit(kernel)(*tuple(_d.values())))

</pallas_src>

<mosaic_0001>
#map = affine_map<(d0, d1) -> (0, 0)>
#map1 = affine_map<(d0, d1) -> (0, 0, 0)>
module attributes {stable_mosaic.version = 14 : i64} {
  func.func @_embed_sc(%arg0: i32, %arg1: i32, %arg2: memref<4x2048xi32, #tpu.memory_space<hbm>>, %arg3: memref<100000x768xf32, #tpu.memory_space<hbm>>, %arg4: memref<4x2048x768xf32, #tpu.memory_space<hbm>>, %arg5: memref<256xi32, #tpu.memory_space<vmem>>, %arg6: memref<32x768xf32, #tpu.memory_space<vmem>>, %arg7: memref<32x768xf32, #tpu.memory_space<vmem>>, %arg8: memref<32x768xf32, #tpu.memory_space<vmem>>, %arg9: memref<32x768xf32, #tpu.memory_space<vmem>>, %arg10: memref<32x768xf32, #tpu.memory_space<vmem>>, %arg11: memref<!tpu.dma_semaphore, #tpu.memory_space<semaphore_mem>>, %arg12: memref<!tpu.dma_semaphore, #tpu.memory_space<semaphore_mem>>, %arg13: memref<!tpu.dma_semaphore, #tpu.memory_space<semaphore_mem>>, %arg14: memref<!tpu.dma_semaphore, #tpu.memory_space<semaphore_mem>>, %arg15: memref<!tpu.dma_semaphore, #tpu.memory_space<semaphore_mem>>, %arg16: memref<!tpu.dma_semaphore, #tpu.memory_space<semaphore_mem>>, %arg17: memref<!tpu.dma_semaphore, #tpu.memory_space<semaphore_mem>>, %arg18: memref<!tpu.dma_semaphore, #tpu.memory_space<semaphore_mem>>, %arg19: memref<!tpu.dma_semaphore, #tpu.memory_space<semaphore_mem>>, %arg20: memref<!tpu.dma_semaphore, #tpu.memory_space<semaphore_mem>>) attributes {dimension_semantics = [#tpu.dimension_semantics<core_parallel>, #tpu.dimension_semantics<subcore_parallel>], iteration_bounds = array<i64: 2, 16>, scalar_prefetch = 0 : i64, scratch_operands = 16 : i64, tpu.core_type = #tpu.core_type<sc_vector_subcore>, window_params = [{transform_indices = #map}, {transform_indices = #map}, {transform_indices = #map1}]} {
    %mul3A = arith.constant 2 : i32
    %mul3A_0 = arith.muli %arg1, %mul3A : i32
    %add3A = arith.addi %mul3A_0, %arg0 : i32
    %jit3A = arith.constant 8 : i32
    %div3A = arith.divsi %add3A, %jit3A : i32
    %sign3A = arith.constant 0 : i32
    %sign3A_1 = arith.cmpi sgt, %add3A, %sign3A : i32
    %sign3A_2 = arith.extui %sign3A_1 : i1 to i32
    %sign3A_3 = arith.constant 0 : i32
    %sign3A_4 = arith.cmpi slt, %add3A, %sign3A_3 : i32
    %sign3A_5 = arith.extui %sign3A_4 : i1 to i32
    %sign3A_6 = arith.subi %sign3A_2, %sign3A_5 : i32
    %sign3A_7 = arith.constant 0 : i32
    %sign3A_8 = arith.cmpi sgt, %jit3A, %sign3A_7 : i32
    %sign3A_9 = arith.extui %sign3A_8 : i1 to i32
    %sign3A_10 = arith.constant 0 : i32
    %sign3A_11 = arith.cmpi slt, %jit3A, %sign3A_10 : i32
    %sign3A_12 = arith.extui %sign3A_11 : i1 to i32
    %sign3A_13 = arith.subi %sign3A_9, %sign3A_12 : i32
    %ne3A = arith.cmpi ne, %sign3A_6, %sign3A_13 : i32
    %rem3A = arith.remsi %add3A, %jit3A : i32
    %ne3A_14 = arith.constant 0 : i32
    %ne3A_15 = arith.cmpi ne, %rem3A, %ne3A_14 : i32
    %and3A = arith.andi %ne3A, %ne3A_15 : i1
    %sub3A = arith.constant 1 : i32
    %sub3A_16 = arith.subi %div3A, %sub3A : i32
    %select_n3A = arith.select %and3A, %sub3A_16, %div3A : i32
    %jit3A_17 = arith.constant 8 : i32
    %eq3A = arith.constant 0 : i32
    %eq3A_18 = arith.cmpi eq, %jit3A_17, %eq3A : i32
    %jit3A_19 = arith.constant 1 : i32
    %select_n3A_20 = arith.select %eq3A_18, %jit3A_19, %jit3A_17 : i32
    %rem3A_21 = arith.remsi %add3A, %select_n3A_20 : i32
    %ne3A_22 = arith.constant 0 : i32
    %ne3A_23 = arith.cmpi ne, %rem3A_21, %ne3A_22 : i32
    %lt3A = arith.constant 0 : i32
    %lt3A_24 = arith.cmpi slt, %rem3A_21, %lt3A : i32
    %lt3A_25 = arith.constant 0 : i32
    %lt3A_26 = arith.cmpi slt, %select_n3A_20, %lt3A_25 : i32
    %ne3A_27 = arith.xori %lt3A_24, %lt3A_26 : i1
    %and3A_28 = arith.andi %ne3A_27, %ne3A_23 : i1
    %add3A_29 = arith.addi %rem3A_21, %select_n3A_20 : i32
    %select_n3A_30 = arith.select %and3A_28, %add3A_29, %rem3A_21 : i32
    %mul3A_31 = arith.constant 256 : i32
    %mul3A_32 = arith.muli %select_n3A_30, %mul3A_31 : i32
    "tpu.region"() ({
      %run_scoped3A = tpu.sem_alloc : memref<!tpu.dma_semaphore, #tpu.memory_space<semaphore_mem>>
      %dma_start3A_319 = tpu.memref_slice %arg2[%select_n3A, %mul3A_32] : memref<4x2048xi32, #tpu.memory_space<hbm>> -> memref<1x256xi32, #tpu.memory_space<hbm>>
      %dma_start3A_320 = tpu.memref_squeeze %dma_start3A_319 : memref<1x256xi32, #tpu.memory_space<hbm>> -> memref<256xi32, #tpu.memory_space<hbm>>
      %dma_start3A_321 = tpu.memref_slice %arg2[%select_n3A, %mul3A_32] : memref<4x2048xi32, #tpu.memory_space<hbm>> -> memref<1x256xi32, #tpu.memory_space<hbm>>
      %dma_start3A_322 = tpu.memref_squeeze %dma_start3A_321 : memref<1x256xi32, #tpu.memory_space<hbm>> -> memref<256xi32, #tpu.memory_space<hbm>>
      tpu.enqueue_dma source(%dma_start3A_322 : memref<256xi32, #tpu.memory_space<hbm>>) target(%arg5 : memref<256xi32, #tpu.memory_space<vmem>>) target_semaphore(%run_scoped3A : memref<!tpu.dma_semaphore, #tpu.memory_space<semaphore_mem>>)
      %dma_wait3A_323 = tpu.memref_slice %arg2[%select_n3A, %mul3A_32] : memref<4x2048xi32, #tpu.memory_space<hbm>> -> memref<1x256xi32, #tpu.memory_space<hbm>>
      %dma_wait3A_324 = tpu.memref_squeeze %dma_wait3A_323 : memref<1x256xi32, #tpu.memory_space<hbm>> -> memref<256xi32, #tpu.memory_space<hbm>>
      %dma_wait3A_325 = tpu.memref_slice %arg2[%select_n3A, %mul3A_32] : memref<4x2048xi32, #tpu.memory_space<hbm>> -> memref<1x256xi32, #tpu.memory_space<hbm>>
      %dma_wait3A_326 = tpu.memref_squeeze %dma_wait3A_325 : memref<1x256xi32, #tpu.memory_space<hbm>> -> memref<256xi32, #tpu.memory_space<hbm>>
      tpu.wait_dma2 semaphore(%run_scoped3A : memref<!tpu.dma_semaphore, #tpu.memory_space<semaphore_mem>>) src(%dma_wait3A_326 : memref<256xi32, #tpu.memory_space<hbm>>) dst(%arg5 : memref<256xi32, #tpu.memory_space<vmem>>)
      tpu.yield
    }) : () -> ()
    %dma_start3A = arith.constant 0 : i32
    %dma_start3A_33 = tpu.memref_slice %arg5[%dma_start3A] : memref<256xi32, #tpu.memory_space<vmem>> -> memref<32xi32, #tpu.memory_space<vmem>>
    %dma_start3A_34 = arith.constant 0 : i32
    %dma_start3A_35 = arith.constant 0 : i32
    %dma_start3A_36 = tpu.memref_slice %arg3[%dma_start3A_34, %dma_start3A_35] : memref<100000x768xf32, #tpu.memory_space<hbm>> -> memref<100000x768xf32, #tpu.memory_space<hbm>>
    tpu.enqueue_indirect_dma source(%dma_start3A_36 : memref<100000x768xf32, #tpu.memory_space<hbm>>) target(%arg6 : memref<32x768xf32, #tpu.memory_space<vmem>>) offsets(%dma_start3A_33 : memref<32xi32, #tpu.memory_space<vmem>>) semaphore(%arg11 : memref<!tpu.dma_semaphore, #tpu.memory_space<semaphore_mem>>)
    %dma_start3A_37 = arith.constant 32 : i32
    %dma_start3A_38 = tpu.memref_slice %arg5[%dma_start3A_37] : memref<256xi32, #tpu.memory_space<vmem>> -> memref<32xi32, #tpu.memory_space<vmem>>
    %dma_start3A_39 = arith.constant 0 : i32
    %dma_start3A_40 = arith.constant 0 : i32
    %dma_start3A_41 = tpu.memref_slice %arg3[%dma_start3A_39, %dma_start3A_40] : memref<100000x768xf32, #tpu.memory_space<hbm>> -> memref<100000x768xf32, #tpu.memory_space<hbm>>
    tpu.enqueue_indirect_dma source(%dma_start3A_41 : memref<100000x768xf32, #tpu.memory_space<hbm>>) target(%arg7 : memref<32x768xf32, #tpu.memory_space<vmem>>) offsets(%dma_start3A_38 : memref<32xi32, #tpu.memory_space<vmem>>) semaphore(%arg12 : memref<!tpu.dma_semaphore, #tpu.memory_space<semaphore_mem>>)
    %dma_start3A_42 = arith.constant 64 : i32
    %dma_start3A_43 = tpu.memref_slice %arg5[%dma_start3A_42] : memref<256xi32, #tpu.memory_space<vmem>> -> memref<32xi32, #tpu.memory_space<vmem>>
    %dma_start3A_44 = arith.constant 0 : i32
    %dma_start3A_45 = arith.constant 0 : i32
    %dma_start3A_46 = tpu.memref_slice %arg3[%dma_start3A_44, %dma_start3A_45] : memref<100000x768xf32, #tpu.memory_space<hbm>> -> memref<100000x768xf32, #tpu.memory_space<hbm>>
    tpu.enqueue_indirect_dma source(%dma_start3A_46 : memref<100000x768xf32, #tpu.memory_space<hbm>>) target(%arg8 : memref<32x768xf32, #tpu.memory_space<vmem>>) offsets(%dma_start3A_43 : memref<32xi32, #tpu.memory_space<vmem>>) semaphore(%arg13 : memref<!tpu.dma_semaphore, #tpu.memory_space<semaphore_mem>>)
    %dma_start3A_47 = arith.constant 96 : i32
    %dma_start3A_48 = tpu.memref_slice %arg5[%dma_start3A_47] : memref<256xi32, #tpu.memory_space<vmem>> -> memref<32xi32, #tpu.memory_space<vmem>>
    %dma_start3A_49 = arith.constant 0 : i32
    %dma_start3A_50 = arith.constant 0 : i32
    %dma_start3A_51 = tpu.memref_slice %arg3[%dma_start3A_49, %dma_start3A_50] : memref<100000x768xf32, #tpu.memory_space<hbm>> -> memref<100000x768xf32, #tpu.memory_space<hbm>>
    tpu.enqueue_indirect_dma source(%dma_start3A_51 : memref<100000x768xf32, #tpu.memory_space<hbm>>) target(%arg9 : memref<32x768xf32, #tpu.memory_space<vmem>>) offsets(%dma_start3A_48 : memref<32xi32, #tpu.memory_space<vmem>>) semaphore(%arg14 : memref<!tpu.dma_semaphore, #tpu.memory_space<semaphore_mem>>)
    %dma_wait3A = arith.constant 0 : i32
    %dma_wait3A_52 = tpu.memref_slice %arg5[%dma_wait3A] : memref<256xi32, #tpu.memory_space<vmem>> -> memref<32xi32, #tpu.memory_space<vmem>>
    %dma_wait3A_53 = arith.constant 0 : i32
    %dma_wait3A_54 = arith.constant 0 : i32
    %dma_wait3A_55 = tpu.memref_slice %arg3[%dma_wait3A_53, %dma_wait3A_54] : memref<100000x768xf32, #tpu.memory_space<hbm>> -> memref<100000x768xf32, #tpu.memory_space<hbm>>
    tpu.wait_indirect_dma semaphore(%arg11 : memref<!tpu.dma_semaphore, #tpu.memory_space<semaphore_mem>>) src(%dma_wait3A_55 : memref<100000x768xf32, #tpu.memory_space<hbm>>) dst(%arg6 : memref<32x768xf32, #tpu.memory_space<vmem>>)
    %add3A_56 = arith.constant 0 : i32
    %add3A_57 = arith.addi %mul3A_32, %add3A_56 : i32
    %dma_start3A_58 = arith.constant 0 : i32
    %dma_start3A_59 = arith.constant 0 : i32
    %dma_start3A_60 = tpu.memref_slice %arg4[%select_n3A, %dma_start3A_58, %dma_start3A_59] : memref<4x2048x768xf32, #tpu.memory_space<hbm>> -> memref<1x2048x768xf32, #tpu.memory_space<hbm>>
    %dma_start3A_61 = tpu.memref_squeeze %dma_start3A_60 : memref<1x2048x768xf32, #tpu.memory_space<hbm>> -> memref<2048x768xf32, #tpu.memory_space<hbm>>
    %dma_start3A_62 = arith.constant 0 : i32
    %dma_start3A_63 = tpu.memref_slice %dma_start3A_61[%add3A_57, %dma_start3A_62] : memref<2048x768xf32, #tpu.memory_space<hbm>> -> memref<32x768xf32, #tpu.memory_space<hbm>>
    %dma_start3A_64 = arith.constant 0 : i32
    %dma_start3A_65 = arith.constant 0 : i32
    %dma_start3A_66 = tpu.memref_slice %arg4[%select_n3A, %dma_start3A_64, %dma_start3A_65] : memref<4x2048x768xf32, #tpu.memory_space<hbm>> -> memref<1x2048x768xf32, #tpu.memory_space<hbm>>
    %dma_start3A_67 = tpu.memref_squeeze %dma_start3A_66 : memref<1x2048x768xf32, #tpu.memory_space<hbm>> -> memref<2048x768xf32, #tpu.memory_space<hbm>>
    %dma_start3A_68 = arith.constant 0 : i32
    %dma_start3A_69 = tpu.memref_slice %dma_start3A_67[%add3A_57, %dma_start3A_68] : memref<2048x768xf32, #tpu.memory_space<hbm>> -> memref<32x768xf32, #tpu.memory_space<hbm>>
    tpu.enqueue_dma source(%arg6 : memref<32x768xf32, #tpu.memory_space<vmem>>) target(%dma_start3A_69 : memref<32x768xf32, #tpu.memory_space<hbm>>) target_semaphore(%arg16 : memref<!tpu.dma_semaphore, #tpu.memory_space<semaphore_mem>>)
    %dma_start3A_70 = arith.constant 128 : i32
    %dma_start3A_71 = tpu.memref_slice %arg5[%dma_start3A_70] : memref<256xi32, #tpu.memory_space<vmem>> -> memref<32xi32, #tpu.memory_space<vmem>>
    %dma_start3A_72 = arith.constant 0 : i32
    %dma_start3A_73 = arith.constant 0 : i32
    %dma_start3A_74 = tpu.memref_slice %arg3[%dma_start3A_72, %dma_start3A_73] : memref<100000x768xf32, #tpu.memory_space<hbm>> -> memref<100000x768xf32, #tpu.memory_space<hbm>>
    tpu.enqueue_indirect_dma source(%dma_start3A_74 : memref<100000x768xf32, #tpu.memory_space<hbm>>) target(%arg10 : memref<32x768xf32, #tpu.memory_space<vmem>>) offsets(%dma_start3A_71 : memref<32xi32, #tpu.memory_space<vmem>>) semaphore(%arg15 : memref<!tpu.dma_semaphore, #tpu.memory_space<semaphore_mem>>)
    %dma_wait3A_75 = arith.constant 32 : i32
    %dma_wait3A_76 = tpu.memref_slice %arg5[%dma_wait3A_75] : memref<256xi32, #tpu.memory_space<vmem>> -> memref<32xi32, #tpu.memory_space<vmem>>
    %dma_wait3A_77 = arith.constant 0 : i32
    %dma_wait3A_78 = arith.constant 0 : i32
    %dma_wait3A_79 = tpu.memref_slice %arg3[%dma_wait3A_77, %dma_wait3A_78] : memref<100000x768xf32, #tpu.memory_space<hbm>> -> memref<100000x768xf32, #tpu.memory_space<hbm>>
    tpu.wait_indirect_dma semaphore(%arg12 : memref<!tpu.dma_semaphore, #tpu.memory_space<semaphore_mem>>) src(%dma_wait3A_79 : memref<100000x768xf32, #tpu.memory_space<hbm>>) dst(%arg7 : memref<32x768xf32, #tpu.memory_space<vmem>>)
    %add3A_80 = arith.constant 32 : i32
    %add3A_81 = arith.addi %mul3A_32, %add3A_80 : i32
    %dma_start3A_82 = arith.constant 0 : i32
    %dma_start3A_83 = arith.constant 0 : i32
    %dma_start3A_84 = tpu.memref_slice %arg4[%select_n3A, %dma_start3A_82, %dma_start3A_83] : memref<4x2048x768xf32, #tpu.memory_space<hbm>> -> memref<1x2048x768xf32, #tpu.memory_space<hbm>>
    %dma_start3A_85 = tpu.memref_squeeze %dma_start3A_84 : memref<1x2048x768xf32, #tpu.memory_space<hbm>> -> memref<2048x768xf32, #tpu.memory_space<hbm>>
    %dma_start3A_86 = arith.constant 0 : i32
    %dma_start3A_87 = tpu.memref_slice %dma_start3A_85[%add3A_81, %dma_start3A_86] : memref<2048x768xf32, #tpu.memory_space<hbm>> -> memref<32x768xf32, #tpu.memory_space<hbm>>
    %dma_start3A_88 = arith.constant 0 : i32
    %dma_start3A_89 = arith.constant 0 : i32
    %dma_start3A_90 = tpu.memref_slice %arg4[%select_n3A, %dma_start3A_88, %dma_start3A_89] : memref<4x2048x768xf32, #tpu.memory_space<hbm>> -> memref<1x2048x768xf32, #tpu.memory_space<hbm>>
    %dma_start3A_91 = tpu.memref_squeeze %dma_start3A_90 : memref<1x2048x768xf32, #tpu.memory_space<hbm>> -> memref<2048x768xf32, #tpu.memory_space<hbm>>
    %dma_start3A_92 = arith.constant 0 : i32
    %dma_start3A_93 = tpu.memref_slice %dma_start3A_91[%add3A_81, %dma_start3A_92] : memref<2048x768xf32, #tpu.memory_space<hbm>> -> memref<32x768xf32, #tpu.memory_space<hbm>>
    tpu.enqueue_dma source(%arg7 : memref<32x768xf32, #tpu.memory_space<vmem>>) target(%dma_start3A_93 : memref<32x768xf32, #tpu.memory_space<hbm>>) target_semaphore(%arg17 : memref<!tpu.dma_semaphore, #tpu.memory_space<semaphore_mem>>)
    %dma_wait3A_94 = arith.constant 0 : i32
    %dma_wait3A_95 = arith.constant 0 : i32
    %dma_wait3A_96 = tpu.memref_slice %arg4[%select_n3A, %dma_wait3A_94, %dma_wait3A_95] : memref<4x2048x768xf32, #tpu.memory_space<hbm>> -> memref<1x2048x768xf32, #tpu.memory_space<hbm>>
    %dma_wait3A_97 = tpu.memref_squeeze %dma_wait3A_96 : memref<1x2048x768xf32, #tpu.memory_space<hbm>> -> memref<2048x768xf32, #tpu.memory_space<hbm>>
    %dma_wait3A_98 = arith.constant 0 : i32
    %dma_wait3A_99 = tpu.memref_slice %dma_wait3A_97[%add3A_57, %dma_wait3A_98] : memref<2048x768xf32, #tpu.memory_space<hbm>> -> memref<32x768xf32, #tpu.memory_space<hbm>>
    %dma_wait3A_100 = arith.constant 0 : i32
    %dma_wait3A_101 = arith.constant 0 : i32
    %dma_wait3A_102 = tpu.memref_slice %arg4[%select_n3A, %dma_wait3A_100, %dma_wait3A_101] : memref<4x2048x768xf32, #tpu.memory_space<hbm>> -> memref<1x2048x768xf32, #tpu.memory_space<hbm>>
    %dma_wait3A_103 = tpu.memref_squeeze %dma_wait3A_102 : memref<1x2048x768xf32, #tpu.memory_space<hbm>> -> memref<2048x768xf32, #tpu.memory_space<hbm>>
    %dma_wait3A_104 = arith.constant 0 : i32
    %dma_wait3A_105 = tpu.memref_slice %dma_wait3A_103[%add3A_57, %dma_wait3A_104] : memref<2048x768xf32, #tpu.memory_space<hbm>> -> memref<32x768xf32, #tpu.memory_space<hbm>>
    tpu.wait_dma2 semaphore(%arg16 : memref<!tpu.dma_semaphore, #tpu.memory_space<semaphore_mem>>) src(%arg6 : memref<32x768xf32, #tpu.memory_space<vmem>>) dst(%dma_wait3A_105 : memref<32x768xf32, #tpu.memory_space<hbm>>)
    %dma_start3A_106 = arith.constant 160 : i32
    %dma_start3A_107 = tpu.memref_slice %arg5[%dma_start3A_106] : memref<256xi32, #tpu.memory_space<vmem>> -> memref<32xi32, #tpu.memory_space<vmem>>
    %dma_start3A_108 = arith.constant 0 : i32
    %dma_start3A_109 = arith.constant 0 : i32
    %dma_start3A_110 = tpu.memref_slice %arg3[%dma_start3A_108, %dma_start3A_109] : memref<100000x768xf32, #tpu.memory_space<hbm>> -> memref<100000x768xf32, #tpu.memory_space<hbm>>
    tpu.enqueue_indirect_dma source(%dma_start3A_110 : memref<100000x768xf32, #tpu.memory_space<hbm>>) target(%arg6 : memref<32x768xf32, #tpu.memory_space<vmem>>) offsets(%dma_start3A_107 : memref<32xi32, #tpu.memory_space<vmem>>) semaphore(%arg11 : memref<!tpu.dma_semaphore, #tpu.memory_space<semaphore_mem>>)
    %dma_wait3A_111 = arith.constant 64 : i32
    %dma_wait3A_112 = tpu.memref_slice %arg5[%dma_wait3A_111] : memref<256xi32, #tpu.memory_space<vmem>> -> memref<32xi32, #tpu.memory_space<vmem>>
    %dma_wait3A_113 = arith.constant 0 : i32
    %dma_wait3A_114 = arith.constant 0 : i32
    %dma_wait3A_115 = tpu.memref_slice %arg3[%dma_wait3A_113, %dma_wait3A_114] : memref<100000x768xf32, #tpu.memory_space<hbm>> -> memref<100000x768xf32, #tpu.memory_space<hbm>>
    tpu.wait_indirect_dma semaphore(%arg13 : memref<!tpu.dma_semaphore, #tpu.memory_space<semaphore_mem>>) src(%dma_wait3A_115 : memref<100000x768xf32, #tpu.memory_space<hbm>>) dst(%arg8 : memref<32x768xf32, #tpu.memory_space<vmem>>)
    %add3A_116 = arith.constant 64 : i32
    %add3A_117 = arith.addi %mul3A_32, %add3A_116 : i32
    %dma_start3A_118 = arith.constant 0 : i32
    %dma_start3A_119 = arith.constant 0 : i32
    %dma_start3A_120 = tpu.memref_slice %arg4[%select_n3A, %dma_start3A_118, %dma_start3A_119] : memref<4x2048x768xf32, #tpu.memory_space<hbm>> -> memref<1x2048x768xf32, #tpu.memory_space<hbm>>
    %dma_start3A_121 = tpu.memref_squeeze %dma_start3A_120 : memref<1x2048x768xf32, #tpu.memory_space<hbm>> -> memref<2048x768xf32, #tpu.memory_space<hbm>>
    %dma_start3A_122 = arith.constant 0 : i32
    %dma_start3A_123 = tpu.memref_slice %dma_start3A_121[%add3A_117, %dma_start3A_122] : memref<2048x768xf32, #tpu.memory_space<hbm>> -> memref<32x768xf32, #tpu.memory_space<hbm>>
    %dma_start3A_124 = arith.constant 0 : i32
    %dma_start3A_125 = arith.constant 0 : i32
    %dma_start3A_126 = tpu.memref_slice %arg4[%select_n3A, %dma_start3A_124, %dma_start3A_125] : memref<4x2048x768xf32, #tpu.memory_space<hbm>> -> memref<1x2048x768xf32, #tpu.memory_space<hbm>>
    %dma_start3A_127 = tpu.memref_squeeze %dma_start3A_126 : memref<1x2048x768xf32, #tpu.memory_space<hbm>> -> memref<2048x768xf32, #tpu.memory_space<hbm>>
    %dma_start3A_128 = arith.constant 0 : i32
    %dma_start3A_129 = tpu.memref_slice %dma_start3A_127[%add3A_117, %dma_start3A_128] : memref<2048x768xf32, #tpu.memory_space<hbm>> -> memref<32x768xf32, #tpu.memory_space<hbm>>
    tpu.enqueue_dma source(%arg8 : memref<32x768xf32, #tpu.memory_space<vmem>>) target(%dma_start3A_129 : memref<32x768xf32, #tpu.memory_space<hbm>>) target_semaphore(%arg18 : memref<!tpu.dma_semaphore, #tpu.memory_space<semaphore_mem>>)
    %dma_wait3A_130 = arith.constant 0 : i32
    %dma_wait3A_131 = arith.constant 0 : i32
    %dma_wait3A_132 = tpu.memref_slice %arg4[%select_n3A, %dma_wait3A_130, %dma_wait3A_131] : memref<4x2048x768xf32, #tpu.memory_space<hbm>> -> memref<1x2048x768xf32, #tpu.memory_space<hbm>>
    %dma_wait3A_133 = tpu.memref_squeeze %dma_wait3A_132 : memref<1x2048x768xf32, #tpu.memory_space<hbm>> -> memref<2048x768xf32, #tpu.memory_space<hbm>>
    %dma_wait3A_134 = arith.constant 0 : i32
    %dma_wait3A_135 = tpu.memref_slice %dma_wait3A_133[%add3A_81, %dma_wait3A_134] : memref<2048x768xf32, #tpu.memory_space<hbm>> -> memref<32x768xf32, #tpu.memory_space<hbm>>
    %dma_wait3A_136 = arith.constant 0 : i32
    %dma_wait3A_137 = arith.constant 0 : i32
    %dma_wait3A_138 = tpu.memref_slice %arg4[%select_n3A, %dma_wait3A_136, %dma_wait3A_137] : memref<4x2048x768xf32, #tpu.memory_space<hbm>> -> memref<1x2048x768xf32, #tpu.memory_space<hbm>>
    %dma_wait3A_139 = tpu.memref_squeeze %dma_wait3A_138 : memref<1x2048x768xf32, #tpu.memory_space<hbm>> -> memref<2048x768xf32, #tpu.memory_space<hbm>>
    %dma_wait3A_140 = arith.constant 0 : i32
    %dma_wait3A_141 = tpu.memref_slice %dma_wait3A_139[%add3A_81, %dma_wait3A_140] : memref<2048x768xf32, #tpu.memory_space<hbm>> -> memref<32x768xf32, #tpu.memory_space<hbm>>
    tpu.wait_dma2 semaphore(%arg17 : memref<!tpu.dma_semaphore, #tpu.memory_space<semaphore_mem>>) src(%arg7 : memref<32x768xf32, #tpu.memory_space<vmem>>) dst(%dma_wait3A_141 : memref<32x768xf32, #tpu.memory_space<hbm>>)
    %dma_start3A_142 = arith.constant 192 : i32
    %dma_start3A_143 = tpu.memref_slice %arg5[%dma_start3A_142] : memref<256xi32, #tpu.memory_space<vmem>> -> memref<32xi32, #tpu.memory_space<vmem>>
    %dma_start3A_144 = arith.constant 0 : i32
    %dma_start3A_145 = arith.constant 0 : i32
    %dma_start3A_146 = tpu.memref_slice %arg3[%dma_start3A_144, %dma_start3A_145] : memref<100000x768xf32, #tpu.memory_space<hbm>> -> memref<100000x768xf32, #tpu.memory_space<hbm>>
    tpu.enqueue_indirect_dma source(%dma_start3A_146 : memref<100000x768xf32, #tpu.memory_space<hbm>>) target(%arg7 : memref<32x768xf32, #tpu.memory_space<vmem>>) offsets(%dma_start3A_143 : memref<32xi32, #tpu.memory_space<vmem>>) semaphore(%arg12 : memref<!tpu.dma_semaphore, #tpu.memory_space<semaphore_mem>>)
    %dma_wait3A_147 = arith.constant 96 : i32
    %dma_wait3A_148 = tpu.memref_slice %arg5[%dma_wait3A_147] : memref<256xi32, #tpu.memory_space<vmem>> -> memref<32xi32, #tpu.memory_space<vmem>>
    %dma_wait3A_149 = arith.constant 0 : i32
    %dma_wait3A_150 = arith.constant 0 : i32
    %dma_wait3A_151 = tpu.memref_slice %arg3[%dma_wait3A_149, %dma_wait3A_150] : memref<100000x768xf32, #tpu.memory_space<hbm>> -> memref<100000x768xf32, #tpu.memory_space<hbm>>
    tpu.wait_indirect_dma semaphore(%arg14 : memref<!tpu.dma_semaphore, #tpu.memory_space<semaphore_mem>>) src(%dma_wait3A_151 : memref<100000x768xf32, #tpu.memory_space<hbm>>) dst(%arg9 : memref<32x768xf32, #tpu.memory_space<vmem>>)
    %add3A_152 = arith.constant 96 : i32
    %add3A_153 = arith.addi %mul3A_32, %add3A_152 : i32
    %dma_start3A_154 = arith.constant 0 : i32
    %dma_start3A_155 = arith.constant 0 : i32
    %dma_start3A_156 = tpu.memref_slice %arg4[%select_n3A, %dma_start3A_154, %dma_start3A_155] : memref<4x2048x768xf32, #tpu.memory_space<hbm>> -> memref<1x2048x768xf32, #tpu.memory_space<hbm>>
    %dma_start3A_157 = tpu.memref_squeeze %dma_start3A_156 : memref<1x2048x768xf32, #tpu.memory_space<hbm>> -> memref<2048x768xf32, #tpu.memory_space<hbm>>
    %dma_start3A_158 = arith.constant 0 : i32
    %dma_start3A_159 = tpu.memref_slice %dma_start3A_157[%add3A_153, %dma_start3A_158] : memref<2048x768xf32, #tpu.memory_space<hbm>> -> memref<32x768xf32, #tpu.memory_space<hbm>>
    %dma_start3A_160 = arith.constant 0 : i32
    %dma_start3A_161 = arith.constant 0 : i32
    %dma_start3A_162 = tpu.memref_slice %arg4[%select_n3A, %dma_start3A_160, %dma_start3A_161] : memref<4x2048x768xf32, #tpu.memory_space<hbm>> -> memref<1x2048x768xf32, #tpu.memory_space<hbm>>
    %dma_start3A_163 = tpu.memref_squeeze %dma_start3A_162 : memref<1x2048x768xf32, #tpu.memory_space<hbm>> -> memref<2048x768xf32, #tpu.memory_space<hbm>>
    %dma_start3A_164 = arith.constant 0 : i32
    %dma_start3A_165 = tpu.memref_slice %dma_start3A_163[%add3A_153, %dma_start3A_164] : memref<2048x768xf32, #tpu.memory_space<hbm>> -> memref<32x768xf32, #tpu.memory_space<hbm>>
    tpu.enqueue_dma source(%arg9 : memref<32x768xf32, #tpu.memory_space<vmem>>) target(%dma_start3A_165 : memref<32x768xf32, #tpu.memory_space<hbm>>) target_semaphore(%arg19 : memref<!tpu.dma_semaphore, #tpu.memory_space<semaphore_mem>>)
    %dma_wait3A_166 = arith.constant 0 : i32
    %dma_wait3A_167 = arith.constant 0 : i32
    %dma_wait3A_168 = tpu.memref_slice %arg4[%select_n3A, %dma_wait3A_166, %dma_wait3A_167] : memref<4x2048x768xf32, #tpu.memory_space<hbm>> -> memref<1x2048x768xf32, #tpu.memory_space<hbm>>
    %dma_wait3A_169 = tpu.memref_squeeze %dma_wait3A_168 : memref<1x2048x768xf32, #tpu.memory_space<hbm>> -> memref<2048x768xf32, #tpu.memory_space<hbm>>
    %dma_wait3A_170 = arith.constant 0 : i32
    %dma_wait3A_171 = tpu.memref_slice %dma_wait3A_169[%add3A_117, %dma_wait3A_170] : memref<2048x768xf32, #tpu.memory_space<hbm>> -> memref<32x768xf32, #tpu.memory_space<hbm>>
    %dma_wait3A_172 = arith.constant 0 : i32
    %dma_wait3A_173 = arith.constant 0 : i32
    %dma_wait3A_174 = tpu.memref_slice %arg4[%select_n3A, %dma_wait3A_172, %dma_wait3A_173] : memref<4x2048x768xf32, #tpu.memory_space<hbm>> -> memref<1x2048x768xf32, #tpu.memory_space<hbm>>
    %dma_wait3A_175 = tpu.memref_squeeze %dma_wait3A_174 : memref<1x2048x768xf32, #tpu.memory_space<hbm>> -> memref<2048x768xf32, #tpu.memory_space<hbm>>
    %dma_wait3A_176 = arith.constant 0 : i32
    %dma_wait3A_177 = tpu.memref_slice %dma_wait3A_175[%add3A_117, %dma_wait3A_176] : memref<2048x768xf32, #tpu.memory_space<hbm>> -> memref<32x768xf32, #tpu.memory_space<hbm>>
    tpu.wait_dma2 semaphore(%arg18 : memref<!tpu.dma_semaphore, #tpu.memory_space<semaphore_mem>>) src(%arg8 : memref<32x768xf32, #tpu.memory_space<vmem>>) dst(%dma_wait3A_177 : memref<32x768xf32, #tpu.memory_space<hbm>>)
    %dma_start3A_178 = arith.constant 224 : i32
    %dma_start3A_179 = tpu.memref_slice %arg5[%dma_start3A_178] : memref<256xi32, #tpu.memory_space<vmem>> -> memref<32xi32, #tpu.memory_space<vmem>>
    %dma_start3A_180 = arith.constant 0 : i32
    %dma_start3A_181 = arith.constant 0 : i32
    %dma_start3A_182 = tpu.memref_slice %arg3[%dma_start3A_180, %dma_start3A_181] : memref<100000x768xf32, #tpu.memory_space<hbm>> -> memref<100000x768xf32, #tpu.memory_space<hbm>>
    tpu.enqueue_indirect_dma source(%dma_start3A_182 : memref<100000x768xf32, #tpu.memory_space<hbm>>) target(%arg8 : memref<32x768xf32, #tpu.memory_space<vmem>>) offsets(%dma_start3A_179 : memref<32xi32, #tpu.memory_space<vmem>>) semaphore(%arg13 : memref<!tpu.dma_semaphore, #tpu.memory_space<semaphore_mem>>)
    %dma_wait3A_183 = arith.constant 128 : i32
    %dma_wait3A_184 = tpu.memref_slice %arg5[%dma_wait3A_183] : memref<256xi32, #tpu.memory_space<vmem>> -> memref<32xi32, #tpu.memory_space<vmem>>
    %dma_wait3A_185 = arith.constant 0 : i32
    %dma_wait3A_186 = arith.constant 0 : i32
    %dma_wait3A_187 = tpu.memref_slice %arg3[%dma_wait3A_185, %dma_wait3A_186] : memref<100000x768xf32, #tpu.memory_space<hbm>> -> memref<100000x768xf32, #tpu.memory_space<hbm>>
    tpu.wait_indirect_dma semaphore(%arg15 : memref<!tpu.dma_semaphore, #tpu.memory_space<semaphore_mem>>) src(%dma_wait3A_187 : memref<100000x768xf32, #tpu.memory_space<hbm>>) dst(%arg10 : memref<32x768xf32, #tpu.memory_space<vmem>>)
    %add3A_188 = arith.constant 128 : i32
    %add3A_189 = arith.addi %mul3A_32, %add3A_188 : i32
    %dma_start3A_190 = arith.constant 0 : i32
    %dma_start3A_191 = arith.constant 0 : i32
    %dma_start3A_192 = tpu.memref_slice %arg4[%select_n3A, %dma_start3A_190, %dma_start3A_191] : memref<4x2048x768xf32, #tpu.memory_space<hbm>> -> memref<1x2048x768xf32, #tpu.memory_space<hbm>>
    %dma_start3A_193 = tpu.memref_squeeze %dma_start3A_192 : memref<1x2048x768xf32, #tpu.memory_space<hbm>> -> memref<2048x768xf32, #tpu.memory_space<hbm>>
    %dma_start3A_194 = arith.constant 0 : i32
    %dma_start3A_195 = tpu.memref_slice %dma_start3A_193[%add3A_189, %dma_start3A_194] : memref<2048x768xf32, #tpu.memory_space<hbm>> -> memref<32x768xf32, #tpu.memory_space<hbm>>
    %dma_start3A_196 = arith.constant 0 : i32
    %dma_start3A_197 = arith.constant 0 : i32
    %dma_start3A_198 = tpu.memref_slice %arg4[%select_n3A, %dma_start3A_196, %dma_start3A_197] : memref<4x2048x768xf32, #tpu.memory_space<hbm>> -> memref<1x2048x768xf32, #tpu.memory_space<hbm>>
    %dma_start3A_199 = tpu.memref_squeeze %dma_start3A_198 : memref<1x2048x768xf32, #tpu.memory_space<hbm>> -> memref<2048x768xf32, #tpu.memory_space<hbm>>
    %dma_start3A_200 = arith.constant 0 : i32
    %dma_start3A_201 = tpu.memref_slice %dma_start3A_199[%add3A_189, %dma_start3A_200] : memref<2048x768xf32, #tpu.memory_space<hbm>> -> memref<32x768xf32, #tpu.memory_space<hbm>>
    tpu.enqueue_dma source(%arg10 : memref<32x768xf32, #tpu.memory_space<vmem>>) target(%dma_start3A_201 : memref<32x768xf32, #tpu.memory_space<hbm>>) target_semaphore(%arg20 : memref<!tpu.dma_semaphore, #tpu.memory_space<semaphore_mem>>)
    %dma_wait3A_202 = arith.constant 160 : i32
    %dma_wait3A_203 = tpu.memref_slice %arg5[%dma_wait3A_202] : memref<256xi32, #tpu.memory_space<vmem>> -> memref<32xi32, #tpu.memory_space<vmem>>
    %dma_wait3A_204 = arith.constant 0 : i32
    %dma_wait3A_205 = arith.constant 0 : i32
    %dma_wait3A_206 = tpu.memref_slice %arg3[%dma_wait3A_204, %dma_wait3A_205] : memref<100000x768xf32, #tpu.memory_space<hbm>> -> memref<100000x768xf32, #tpu.memory_space<hbm>>
    tpu.wait_indirect_dma semaphore(%arg11 : memref<!tpu.dma_semaphore, #tpu.memory_space<semaphore_mem>>) src(%dma_wait3A_206 : memref<100000x768xf32, #tpu.memory_space<hbm>>) dst(%arg6 : memref<32x768xf32, #tpu.memory_space<vmem>>)
    %add3A_207 = arith.constant 160 : i32
    %add3A_208 = arith.addi %mul3A_32, %add3A_207 : i32
    %dma_start3A_209 = arith.constant 0 : i32
    %dma_start3A_210 = arith.constant 0 : i32
    %dma_start3A_211 = tpu.memref_slice %arg4[%select_n3A, %dma_start3A_209, %dma_start3A_210] : memref<4x2048x768xf32, #tpu.memory_space<hbm>> -> memref<1x2048x768xf32, #tpu.memory_space<hbm>>
    %dma_start3A_212 = tpu.memref_squeeze %dma_start3A_211 : memref<1x2048x768xf32, #tpu.memory_space<hbm>> -> memref<2048x768xf32, #tpu.memory_space<hbm>>
    %dma_start3A_213 = arith.constant 0 : i32
    %dma_start3A_214 = tpu.memref_slice %dma_start3A_212[%add3A_208, %dma_start3A_213] : memref<2048x768xf32, #tpu.memory_space<hbm>> -> memref<32x768xf32, #tpu.memory_space<hbm>>
    %dma_start3A_215 = arith.constant 0 : i32
    %dma_start3A_216 = arith.constant 0 : i32
    %dma_start3A_217 = tpu.memref_slice %arg4[%select_n3A, %dma_start3A_215, %dma_start3A_216] : memref<4x2048x768xf32, #tpu.memory_space<hbm>> -> memref<1x2048x768xf32, #tpu.memory_space<hbm>>
    %dma_start3A_218 = tpu.memref_squeeze %dma_start3A_217 : memref<1x2048x768xf32, #tpu.memory_space<hbm>> -> memref<2048x768xf32, #tpu.memory_space<hbm>>
    %dma_start3A_219 = arith.constant 0 : i32
    %dma_start3A_220 = tpu.memref_slice %dma_start3A_218[%add3A_208, %dma_start3A_219] : memref<2048x768xf32, #tpu.memory_space<hbm>> -> memref<32x768xf32, #tpu.memory_space<hbm>>
    tpu.enqueue_dma source(%arg6 : memref<32x768xf32, #tpu.memory_space<vmem>>) target(%dma_start3A_220 : memref<32x768xf32, #tpu.memory_space<hbm>>) target_semaphore(%arg16 : memref<!tpu.dma_semaphore, #tpu.memory_space<semaphore_mem>>)
    %dma_wait3A_221 = arith.constant 192 : i32
    %dma_wait3A_222 = tpu.memref_slice %arg5[%dma_wait3A_221] : memref<256xi32, #tpu.memory_space<vmem>> -> memref<32xi32, #tpu.memory_space<vmem>>
    %dma_wait3A_223 = arith.constant 0 : i32
    %dma_wait3A_224 = arith.constant 0 : i32
    %dma_wait3A_225 = tpu.memref_slice %arg3[%dma_wait3A_223, %dma_wait3A_224] : memref<100000x768xf32, #tpu.memory_space<hbm>> -> memref<100000x768xf32, #tpu.memory_space<hbm>>
    tpu.wait_indirect_dma semaphore(%arg12 : memref<!tpu.dma_semaphore, #tpu.memory_space<semaphore_mem>>) src(%dma_wait3A_225 : memref<100000x768xf32, #tpu.memory_space<hbm>>) dst(%arg7 : memref<32x768xf32, #tpu.memory_space<vmem>>)
    %add3A_226 = arith.constant 192 : i32
    %add3A_227 = arith.addi %mul3A_32, %add3A_226 : i32
    %dma_start3A_228 = arith.constant 0 : i32
    %dma_start3A_229 = arith.constant 0 : i32
    %dma_start3A_230 = tpu.memref_slice %arg4[%select_n3A, %dma_start3A_228, %dma_start3A_229] : memref<4x2048x768xf32, #tpu.memory_space<hbm>> -> memref<1x2048x768xf32, #tpu.memory_space<hbm>>
    %dma_start3A_231 = tpu.memref_squeeze %dma_start3A_230 : memref<1x2048x768xf32, #tpu.memory_space<hbm>> -> memref<2048x768xf32, #tpu.memory_space<hbm>>
    %dma_start3A_232 = arith.constant 0 : i32
    %dma_start3A_233 = tpu.memref_slice %dma_start3A_231[%add3A_227, %dma_start3A_232] : memref<2048x768xf32, #tpu.memory_space<hbm>> -> memref<32x768xf32, #tpu.memory_space<hbm>>
    %dma_start3A_234 = arith.constant 0 : i32
    %dma_start3A_235 = arith.constant 0 : i32
    %dma_start3A_236 = tpu.memref_slice %arg4[%select_n3A, %dma_start3A_234, %dma_start3A_235] : memref<4x2048x768xf32, #tpu.memory_space<hbm>> -> memref<1x2048x768xf32, #tpu.memory_space<hbm>>
    %dma_start3A_237 = tpu.memref_squeeze %dma_start3A_236 : memref<1x2048x768xf32, #tpu.memory_space<hbm>> -> memref<2048x768xf32, #tpu.memory_space<hbm>>
    %dma_start3A_238 = arith.constant 0 : i32
    %dma_start3A_239 = tpu.memref_slice %dma_start3A_237[%add3A_227, %dma_start3A_238] : memref<2048x768xf32, #tpu.memory_space<hbm>> -> memref<32x768xf32, #tpu.memory_space<hbm>>
    tpu.enqueue_dma source(%arg7 : memref<32x768xf32, #tpu.memory_space<vmem>>) target(%dma_start3A_239 : memref<32x768xf32, #tpu.memory_space<hbm>>) target_semaphore(%arg17 : memref<!tpu.dma_semaphore, #tpu.memory_space<semaphore_mem>>)
    %dma_wait3A_240 = arith.constant 224 : i32
    %dma_wait3A_241 = tpu.memref_slice %arg5[%dma_wait3A_240] : memref<256xi32, #tpu.memory_space<vmem>> -> memref<32xi32, #tpu.memory_space<vmem>>
    %dma_wait3A_242 = arith.constant 0 : i32
    %dma_wait3A_243 = arith.constant 0 : i32
    %dma_wait3A_244 = tpu.memref_slice %arg3[%dma_wait3A_242, %dma_wait3A_243] : memref<100000x768xf32, #tpu.memory_space<hbm>> -> memref<100000x768xf32, #tpu.memory_space<hbm>>
    tpu.wait_indirect_dma semaphore(%arg13 : memref<!tpu.dma_semaphore, #tpu.memory_space<semaphore_mem>>) src(%dma_wait3A_244 : memref<100000x768xf32, #tpu.memory_space<hbm>>) dst(%arg8 : memref<32x768xf32, #tpu.memory_space<vmem>>)
    %add3A_245 = arith.constant 224 : i32
    %add3A_246 = arith.addi %mul3A_32, %add3A_245 : i32
    %dma_start3A_247 = arith.constant 0 : i32
    %dma_start3A_248 = arith.constant 0 : i32
    %dma_start3A_249 = tpu.memref_slice %arg4[%select_n3A, %dma_start3A_247, %dma_start3A_248] : memref<4x2048x768xf32, #tpu.memory_space<hbm>> -> memref<1x2048x768xf32, #tpu.memory_space<hbm>>
    %dma_start3A_250 = tpu.memref_squeeze %dma_start3A_249 : memref<1x2048x768xf32, #tpu.memory_space<hbm>> -> memref<2048x768xf32, #tpu.memory_space<hbm>>
    %dma_start3A_251 = arith.constant 0 : i32
    %dma_start3A_252 = tpu.memref_slice %dma_start3A_250[%add3A_246, %dma_start3A_251] : memref<2048x768xf32, #tpu.memory_space<hbm>> -> memref<32x768xf32, #tpu.memory_space<hbm>>
    %dma_start3A_253 = arith.constant 0 : i32
    %dma_start3A_254 = arith.constant 0 : i32
    %dma_start3A_255 = tpu.memref_slice %arg4[%select_n3A, %dma_start3A_253, %dma_start3A_254] : memref<4x2048x768xf32, #tpu.memory_space<hbm>> -> memref<1x2048x768xf32, #tpu.memory_space<hbm>>
    %dma_start3A_256 = tpu.memref_squeeze %dma_start3A_255 : memref<1x2048x768xf32, #tpu.memory_space<hbm>> -> memref<2048x768xf32, #tpu.memory_space<hbm>>
    %dma_start3A_257 = arith.constant 0 : i32
    %dma_start3A_258 = tpu.memref_slice %dma_start3A_256[%add3A_246, %dma_start3A_257] : memref<2048x768xf32, #tpu.memory_space<hbm>> -> memref<32x768xf32, #tpu.memory_space<hbm>>
    tpu.enqueue_dma source(%arg8 : memref<32x768xf32, #tpu.memory_space<vmem>>) target(%dma_start3A_258 : memref<32x768xf32, #tpu.memory_space<hbm>>) target_semaphore(%arg18 : memref<!tpu.dma_semaphore, #tpu.memory_space<semaphore_mem>>)
    %dma_wait3A_259 = arith.constant 0 : i32
    %dma_wait3A_260 = arith.constant 0 : i32
    %dma_wait3A_261 = tpu.memref_slice %arg4[%select_n3A, %dma_wait3A_259, %dma_wait3A_260] : memref<4x2048x768xf32, #tpu.memory_space<hbm>> -> memref<1x2048x768xf32, #tpu.memory_space<hbm>>
    %dma_wait3A_262 = tpu.memref_squeeze %dma_wait3A_261 : memref<1x2048x768xf32, #tpu.memory_space<hbm>> -> memref<2048x768xf32, #tpu.memory_space<hbm>>
    %dma_wait3A_263 = arith.constant 0 : i32
    %dma_wait3A_264 = tpu.memref_slice %dma_wait3A_262[%add3A_153, %dma_wait3A_263] : memref<2048x768xf32, #tpu.memory_space<hbm>> -> memref<32x768xf32, #tpu.memory_space<hbm>>
    %dma_wait3A_265 = arith.constant 0 : i32
    %dma_wait3A_266 = arith.constant 0 : i32
    %dma_wait3A_267 = tpu.memref_slice %arg4[%select_n3A, %dma_wait3A_265, %dma_wait3A_266] : memref<4x2048x768xf32, #tpu.memory_space<hbm>> -> memref<1x2048x768xf32, #tpu.memory_space<hbm>>
    %dma_wait3A_268 = tpu.memref_squeeze %dma_wait3A_267 : memref<1x2048x768xf32, #tpu.memory_space<hbm>> -> memref<2048x768xf32, #tpu.memory_space<hbm>>
    %dma_wait3A_269 = arith.constant 0 : i32
    %dma_wait3A_270 = tpu.memref_slice %dma_wait3A_268[%add3A_153, %dma_wait3A_269] : memref<2048x768xf32, #tpu.memory_space<hbm>> -> memref<32x768xf32, #tpu.memory_space<hbm>>
    tpu.wait_dma2 semaphore(%arg19 : memref<!tpu.dma_semaphore, #tpu.memory_space<semaphore_mem>>) src(%arg9 : memref<32x768xf32, #tpu.memory_space<vmem>>) dst(%dma_wait3A_270 : memref<32x768xf32, #tpu.memory_space<hbm>>)
    %dma_wait3A_271 = arith.constant 0 : i32
    %dma_wait3A_272 = arith.constant 0 : i32
    %dma_wait3A_273 = tpu.memref_slice %arg4[%select_n3A, %dma_wait3A_271, %dma_wait3A_272] : memref<4x2048x768xf32, #tpu.memory_space<hbm>> -> memref<1x2048x768xf32, #tpu.memory_space<hbm>>
    %dma_wait3A_274 = tpu.memref_squeeze %dma_wait3A_273 : memref<1x2048x768xf32, #tpu.memory_space<hbm>> -> memref<2048x768xf32, #tpu.memory_space<hbm>>
    %dma_wait3A_275 = arith.constant 0 : i32
    %dma_wait3A_276 = tpu.memref_slice %dma_wait3A_274[%add3A_189, %dma_wait3A_275] : memref<2048x768xf32, #tpu.memory_space<hbm>> -> memref<32x768xf32, #tpu.memory_space<hbm>>
    %dma_wait3A_277 = arith.constant 0 : i32
    %dma_wait3A_278 = arith.constant 0 : i32
    %dma_wait3A_279 = tpu.memref_slice %arg4[%select_n3A, %dma_wait3A_277, %dma_wait3A_278] : memref<4x2048x768xf32, #tpu.memory_space<hbm>> -> memref<1x2048x768xf32, #tpu.memory_space<hbm>>
    %dma_wait3A_280 = tpu.memref_squeeze %dma_wait3A_279 : memref<1x2048x768xf32, #tpu.memory_space<hbm>> -> memref<2048x768xf32, #tpu.memory_space<hbm>>
    %dma_wait3A_281 = arith.constant 0 : i32
    %dma_wait3A_282 = tpu.memref_slice %dma_wait3A_280[%add3A_189, %dma_wait3A_281] : memref<2048x768xf32, #tpu.memory_space<hbm>> -> memref<32x768xf32, #tpu.memory_space<hbm>>
    tpu.wait_dma2 semaphore(%arg20 : memref<!tpu.dma_semaphore, #tpu.memory_space<semaphore_mem>>) src(%arg10 : memref<32x768xf32, #tpu.memory_space<vmem>>) dst(%dma_wait3A_282 : memref<32x768xf32, #tpu.memory_space<hbm>>)
    %dma_wait3A_283 = arith.constant 0 : i32
    %dma_wait3A_284 = arith.constant 0 : i32
    %dma_wait3A_285 = tpu.memref_slice %arg4[%select_n3A, %dma_wait3A_283, %dma_wait3A_284] : memref<4x2048x768xf32, #tpu.memory_space<hbm>> -> memref<1x2048x768xf32, #tpu.memory_space<hbm>>
    %dma_wait3A_286 = tpu.memref_squeeze %dma_wait3A_285 : memref<1x2048x768xf32, #tpu.memory_space<hbm>> -> memref<2048x768xf32, #tpu.memory_space<hbm>>
    %dma_wait3A_287 = arith.constant 0 : i32
    %dma_wait3A_288 = tpu.memref_slice %dma_wait3A_286[%add3A_208, %dma_wait3A_287] : memref<2048x768xf32, #tpu.memory_space<hbm>> -> memref<32x768xf32, #tpu.memory_space<hbm>>
    %dma_wait3A_289 = arith.constant 0 : i32
    %dma_wait3A_290 = arith.constant 0 : i32
    %dma_wait3A_291 = tpu.memref_slice %arg4[%select_n3A, %dma_wait3A_289, %dma_wait3A_290] : memref<4x2048x768xf32, #tpu.memory_space<hbm>> -> memref<1x2048x768xf32, #tpu.memory_space<hbm>>
    %dma_wait3A_292 = tpu.memref_squeeze %dma_wait3A_291 : memref<1x2048x768xf32, #tpu.memory_space<hbm>> -> memref<2048x768xf32, #tpu.memory_space<hbm>>
    %dma_wait3A_293 = arith.constant 0 : i32
    %dma_wait3A_294 = tpu.memref_slice %dma_wait3A_292[%add3A_208, %dma_wait3A_293] : memref<2048x768xf32, #tpu.memory_space<hbm>> -> memref<32x768xf32, #tpu.memory_space<hbm>>
    tpu.wait_dma2 semaphore(%arg16 : memref<!tpu.dma_semaphore, #tpu.memory_space<semaphore_mem>>) src(%arg6 : memref<32x768xf32, #tpu.memory_space<vmem>>) dst(%dma_wait3A_294 : memref<32x768xf32, #tpu.memory_space<hbm>>)
    %dma_wait3A_295 = arith.constant 0 : i32
    %dma_wait3A_296 = arith.constant 0 : i32
    %dma_wait3A_297 = tpu.memref_slice %arg4[%select_n3A, %dma_wait3A_295, %dma_wait3A_296] : memref<4x2048x768xf32, #tpu.memory_space<hbm>> -> memref<1x2048x768xf32, #tpu.memory_space<hbm>>
    %dma_wait3A_298 = tpu.memref_squeeze %dma_wait3A_297 : memref<1x2048x768xf32, #tpu.memory_space<hbm>> -> memref<2048x768xf32, #tpu.memory_space<hbm>>
    %dma_wait3A_299 = arith.constant 0 : i32
    %dma_wait3A_300 = tpu.memref_slice %dma_wait3A_298[%add3A_227, %dma_wait3A_299] : memref<2048x768xf32, #tpu.memory_space<hbm>> -> memref<32x768xf32, #tpu.memory_space<hbm>>
    %dma_wait3A_301 = arith.constant 0 : i32
    %dma_wait3A_302 = arith.constant 0 : i32
    %dma_wait3A_303 = tpu.memref_slice %arg4[%select_n3A, %dma_wait3A_301, %dma_wait3A_302] : memref<4x2048x768xf32, #tpu.memory_space<hbm>> -> memref<1x2048x768xf32, #tpu.memory_space<hbm>>
    %dma_wait3A_304 = tpu.memref_squeeze %dma_wait3A_303 : memref<1x2048x768xf32, #tpu.memory_space<hbm>> -> memref<2048x768xf32, #tpu.memory_space<hbm>>
    %dma_wait3A_305 = arith.constant 0 : i32
    %dma_wait3A_306 = tpu.memref_slice %dma_wait3A_304[%add3A_227, %dma_wait3A_305] : memref<2048x768xf32, #tpu.memory_space<hbm>> -> memref<32x768xf32, #tpu.memory_space<hbm>>
    tpu.wait_dma2 semaphore(%arg17 : memref<!tpu.dma_semaphore, #tpu.memory_space<semaphore_mem>>) src(%arg7 : memref<32x768xf32, #tpu.memory_space<vmem>>) dst(%dma_wait3A_306 : memref<32x768xf32, #tpu.memory_space<hbm>>)
    %dma_wait3A_307 = arith.constant 0 : i32
    %dma_wait3A_308 = arith.constant 0 : i32
    %dma_wait3A_309 = tpu.memref_slice %arg4[%select_n3A, %dma_wait3A_307, %dma_wait3A_308] : memref<4x2048x768xf32, #tpu.memory_space<hbm>> -> memref<1x2048x768xf32, #tpu.memory_space<hbm>>
    %dma_wait3A_310 = tpu.memref_squeeze %dma_wait3A_309 : memref<1x2048x768xf32, #tpu.memory_space<hbm>> -> memref<2048x768xf32, #tpu.memory_space<hbm>>
    %dma_wait3A_311 = arith.constant 0 : i32
    %dma_wait3A_312 = tpu.memref_slice %dma_wait3A_310[%add3A_246, %dma_wait3A_311] : memref<2048x768xf32, #tpu.memory_space<hbm>> -> memref<32x768xf32, #tpu.memory_space<hbm>>
    %dma_wait3A_313 = arith.constant 0 : i32
    %dma_wait3A_314 = arith.constant 0 : i32
    %dma_wait3A_315 = tpu.memref_slice %arg4[%select_n3A, %dma_wait3A_313, %dma_wait3A_314] : memref<4x2048x768xf32, #tpu.memory_space<hbm>> -> memref<1x2048x768xf32, #tpu.memory_space<hbm>>
    %dma_wait3A_316 = tpu.memref_squeeze %dma_wait3A_315 : memref<1x2048x768xf32, #tpu.memory_space<hbm>> -> memref<2048x768xf32, #tpu.memory_space<hbm>>
    %dma_wait3A_317 = arith.constant 0 : i32
    %dma_wait3A_318 = tpu.memref_slice %dma_wait3A_316[%add3A_246, %dma_wait3A_317] : memref<2048x768xf32, #tpu.memory_space<hbm>> -> memref<32x768xf32, #tpu.memory_space<hbm>>
    tpu.wait_dma2 semaphore(%arg18 : memref<!tpu.dma_semaphore, #tpu.memory_space<semaphore_mem>>) src(%arg8 : memref<32x768xf32, #tpu.memory_space<vmem>>) dst(%dma_wait3A_318 : memref<32x768xf32, #tpu.memory_space<hbm>>)
    return
  }
}

</mosaic_0001>

<sc_bundles>
// kernel: kernel.3.cloned.1.call-start
scs
__scs_entry_jumppad:
0x0: {  	(pc) =	sbr.rel $0x88, $3  }
0x1: {  	(tag) =	ssettag $0x0;
	lr =	simm.s32 $0x1  }
0x2: {  	[smem:$0x3F9F] =	sst lr;
	_ =	strace $0xD0000000  }
0x3: {  	_ = 	snop  }
0x4: {  	_ = 	snop  }
0x5: {  	_ = 	snop  }
0x6: {  	_ = 	snop  }
0x7: {  	_ = 	snop  }
__scs_overlays_trampoline_lowered:
0x8: {  	[smem:$0x3FAE] =	sst s0  }
0x9: {  	[smem:$0x3FAF] =	sst s1  }
0xa: {  	[smem:$0x3FB0] =	sst s2  }
0xb: {  	[smem:$0x3FB1] =	sst s3  }
0xc: {  	[smem:$0x3FB2] =	sst s4  }
0xd: {  	[smem:$0x3FB3] =	sst s5  }
0xe: {  	[smem:$0x3FB4] =	sst s6  }
0xf: {  	[smem:$0x3FB5] =	sst s7  }
0x10: {  	[smem:$0x3FB6] =	sst s8  }
0x11: {  	[smem:$0x3FB7] =	sst s9;
	s0 =	simm.s32 @!p0 $0x0  }
0x12: {  	s1 =	sld [smem:$0x3F9D];
	s0 =	simm.s32 @p0 $0x1  }
0x13: {  	[smem:$0x3FB8] =	sst s0;
	s0 =	simm.s32 @!p1 $0x0  }
0x14: {  	s2 =	sld [smem:$0x3F9C];
	s0 =	simm.s32 @p1 $0x1  }
0x15: {  	[smem:$0x3FB9] =	sst s0;
	s0 =	simm.s32 @!p2 $0x0  }
0x16: {  	s3 =	sld [smem:$0x3FDB];
	s0 =	simm.s32 @p2 $0x1  }
0x17: {  	s4 =	simm.s32 $0x1BF5;
	[smem:$0x3FBB] =	sst s0  }
0x18: {  	s0 =	sld [smem:$0x3F9E];
	_ =	swait.ge [sflag:s4], $0x0  }
0x19: {  	s7 =	sld [smem:$0x3F9F]  }
0x1a: {  	s8 =	sadd.s32 $0xFFFFE003, lr  }
0x1b: {  	s9 =	sadd.s32 $0xFFFFFEF7, lr;
	s5 =	simm.s32 $0xFFFFFFFF;
	p2 =	slt.u32 s8, $0xFFFFF086  }
0x1c: {  	p1 =	slt.u32 s9, $0xF7A;
	s5 =	simm.s32 @!p2 $0x0  }
0x1d: {  	s5 =	simm.s32 @p1 $0x1;
	p0 =	seq.s32 s7, s2  }
0x1e: {  	s7 =	smul.u32 @!p0 $0xF7A, s2;
	p2 =	seq.s32 @!p0 s5, $0x0  }
0x1f: {  	s9 =	smul.u32 $0xF7A, s1;
	s8 =	simm.s32 @!p0 $0x1BF5;
	p2 =	por !p2, p0  }
0x20: {  	[sflag:s8] =	ssyncset.s32 @!p0 $0xFFFFF086;
	s6 =	sadd.s32 @!p0 s3, s7;
	s7 =	simm.s32 @!p0 $0x108  }
0x21: {  	s3 =	sadd.s32 s3, s9;
	s6 =	sadd.s32 @!p0 $0x88, s6;
	s7 =	simm.s32 @p2 $0x1082  }
0x22: {  	[simem:s7], [sflag:s8] =	dma.local @!p0 [hbm:s6], $0xF7A  }
0x23: {  	s9 =	sor.u32 $0xD0000000, s2;
	s6 =	simm.s32 $0x108;
	_ =	swait.ge @!p0 [sflag:s8], $0x0  }
0x24: {  	s3 =	sadd.s32 $0x88, s3;
	s6 =	simm.s32 @!p1 $0x1082;
	[sflag:s4] =	ssyncset.s32 $0xFFFFF086  }
0x25: {  	[simem:s6], [sflag:s4] =	dma.local [hbm:s3], $0xF7A  }
0x26: {  	[smem:$0x3F9F] =	sst s1;
	(tag) =	ssettag s2;
	_ =	strace s9  }
0x27: {  	s1 =	sld [smem:$0x3FAF]  }
0x28: {  	s2 =	sld [smem:$0x3FB0]  }
0x29: {  	s4 =	sld [smem:$0x3FB2]  }
0x2a: {  	p0 =	seq.s32 s5, $0x0;
	s5 =	sld [smem:$0x3FB3]  }
0x2b: {  	s6 =	sld [smem:$0x3FB4]  }
0x2c: {  	s7 =	sld [smem:$0x3FB5]  }
0x2d: {  	s3 =	simm.s32 $0x108;
	s8 =	sld [smem:$0x3FB6]  }
0x2e: {  	s3 =	simm.s32 @!p0 $0x1082;
	s9 =	sld [smem:$0x3FB7]  }
0x2f: {  	lr =	sadd.s32 s0, s3;
	s0 =	sld [smem:$0x3FAE]  }
0x30: {  	s3 =	sld [smem:$0x3FB1]  }
0x31: {  	[smem:$0x3FBA] =	sst s10  }
0x32: {  	s10 =	sld [smem:$0x3FB8];
	_ =	sdelay $0x3  }
0x33: {  	p0 =	seq.s32 s10, $0x1;
	s10 =	sld [smem:$0x3FBA];
	_ =	sdelay $0x3  }
0x34: {  	[smem:$0x3FBA] =	sst s10  }
0x35: {  	s10 =	sld [smem:$0x3FB9];
	_ =	sdelay $0x3  }
0x36: {  	p1 =	seq.s32 s10, $0x1;
	s10 =	sld [smem:$0x3FBA];
	_ =	sdelay $0x3  }
0x37: {  	[smem:$0x3FBA] =	sst s10  }
0x38: {  	s10 =	sld [smem:$0x3FBB]  }
0x39: {  	_ = 	snop;
	(pc) =	sbr.ind lr, $3  }
0x3a: {  	_ = 	snop  }
0x3b: {  	_ = 	snop  }
0x3c: {  	p2 =	seq.s32 s10, $0x1;
	s10 =	sld [smem:$0x3FBA]  }
0x3d: {  	_ =	shalt  }
0x3e: {  	_ =	shalt  }
0x3f: {  	_ =	shalt  }
0x40: {  	_ =	shalt  }
0x41: {  	_ =	shalt  }
0x42: {  	_ =	shalt  }
0x43: {  	_ =	shalt  }
0x44: {  	_ =	shalt  }
0x45: {  	_ =	shalt  }
0x46: {  	_ =	shalt  }
0x47: {  	_ =	shalt  }
0x48: {  	_ =	shalt  }
0x49: {  	_ =	shalt  }
0x4a: {  	_ =	shalt  }
0x4b: {  	_ =	shalt  }
0x4c: {  	_ =	shalt  }
0x4d: {  	_ =	shalt  }
0x4e: {  	_ =	shalt  }
0x4f: {  	_ =	shalt  }
0x50: {  	_ =	shalt  }
0x51: {  	_ =	shalt  }
0x52: {  	_ =	shalt  }
0x53: {  	_ =	shalt  }
0x54: {  	_ =	shalt  }
0x55: {  	_ =	shalt  }
0x56: {  	_ =	shalt  }
0x57: {  	_ =	shalt  }
0x58: {  	_ =	shalt  }
0x59: {  	_ =	shalt  }
0x5a: {  	_ =	shalt  }
0x5b: {  	_ =	shalt  }
0x5c: {  	_ =	shalt  }
0x5d: {  	_ =	shalt  }
0x5e: {  	_ =	shalt  }
0x5f: {  	_ =	shalt  }
0x60: {  	_ =	shalt  }
0x61: {  	_ =	shalt  }
0x62: {  	_ =	shalt  }
0x63: {  	_ =	shalt  }
0x64: {  	_ =	shalt  }
0x65: {  	_ =	shalt  }
0x66: {  	_ =	shalt  }
0x67: {  	_ =	shalt  }
0x68: {  	_ =	shalt  }
0x69: {  	_ =	shalt  }
0x6a: {  	_ =	shalt  }
0x6b: {  	_ =	shalt  }
0x6c: {  	_ =	shalt  }
0x6d: {  	_ =	shalt  }
0x6e: {  	_ =	shalt  }
0x6f: {  	_ =	shalt  }
0x70: {  	_ =	shalt  }
0x71: {  	_ =	shalt  }
0x72: {  	_ =	shalt  }
0x73: {  	_ =	shalt  }
0x74: {  	_ =	shalt  }
0x75: {  	_ =	shalt  }
0x76: {  	_ =	shalt  }
0x77: {  	_ =	shalt  }
0x78: {  	_ =	shalt  }
0x79: {  	_ =	shalt  }
0x7a: {  	_ =	shalt  }
0x7b: {  	_ =	shalt  }
0x7c: {  	_ =	shalt  }
0x7d: {  	_ =	shalt  }
0x7e: {  	_ =	shalt  }
0x7f: {  	_ =	shalt  }
0x80: {  	_ =	shalt  }
0x81: {  	_ =	shalt  }
0x82: {  	_ =	shalt  }
0x83: {  	_ =	shalt  }
0x84: {  	_ =	shalt  }
0x85: {  	_ =	shalt  }
0x86: {  	_ =	shalt  }
0x87: {  	_ =	shalt  }
.Lfunc_end0:
.L_simem_size_0:
called_computation_lowered:
.L_overlay_start_0:
0x88: {  	s2 =	sld [smem:$0x3FD9]  }
0x89: {  	s3 =	sld [smem:$0x3FFE];
	_ =	sdelay $0x1  }
0x8a: {  	s1 =	srdreg.scid  }
0x8b: {  	s0 =	sand.u32 $0x1, s1  }
0x8c: {  	s18 =	sshll.u32 s0, $0xA;
	s2 =	sadd.s32 s3, s2  }
0x8d: {  	s2 =	sadd.s32 s2, s18  }
0x8e: {  	[smem:$0x3FC6] =	sst s2  }
0x8f: {  	_ = 	snop  }
0x90: {  	s2 =	sld [smem:$0x3FC9]  }
0x91: {  	s19 =	sld [smem:$0x3FC8]  }
0x92: {  	s4 =	sld [smem:$0x3FD0];
	(tm) =	ssettm $0x1  }
0x93: {  	s5 =	sld [smem:$0x3FFB];
	_ =	sdelay $0x3  }
0x94: {  	_ =	strace s5  }
0x95: {  	s5 =	sld [smem:$0x3FFC];
	_ =	sdelay $0x3  }
0x96: {  	_ =	strace s5  }
0x97: {  	s5 =	sld [smem:$0x3FFD];
	_ =	sdelay $0x3  }
0x98: {  	_ =	strace s5  }
0x99: {  	_ =	strace $0x8FFFFFFF  }
0x9a: {  	s20 =	sld [smem:$0x3FDB];
	_ =	sdelay $0x1  }
0x9b: {  	s6 =	simm.s32 $_scs_section_size  }
0x9c: {  	s7 =	simm.s32 $_size__tile_overlayer_lowered;
	s8 =	simm.s32 $_tile_overlayer_lowered  }
0x9d: {  	s23 =	simm.s32 $0x1BFF;
	s22 =	sshll.u32 s8, $0x1;
	s5 =	sadd.s32 s6, s20  }
0x9e: {  	s9 =	simm.s32 $0x0;
	s21 =	sshll.u32 s7, $0x1;
	s7 =	sadd.s32 s22, s5  }
0x9f: {  	[timem:s9], [sflag:s23] =	dma.local [hbm:s7], s21  }
0xa0: {  	_ =	swait.ge [sflag:s23], s21  }
0xa1: {  	s6 =	ssub.s32 $0x0, s21;
	[sflag:s23] =	ssyncset.done $0x0  }
0xa2: {  	[sflag:s23] =	ssyncadd.s32 s6;
	_ =	sdelay $0x1  }
0xa3: {  	s24 =	simm.s32 $0x1B8B  }
0xa4: {  	_ =	swait.ge [sflag:s24], $0x1  }
0xa5: {  	[sflag:s24] =	ssyncset.done $0x0  }
0xa6: {  	s25 =	simm.s32 $0x1B8E;
	[sflag:s24] =	ssyncadd.s32 $0xFFFFFFFF  }
0xa7: {  	s26 =	simm.s32 $execute0_lowered;
	[smem:$0x3FD2] =	sst s25  }
0xa8: {  	s6 =	sshll.u32 s26, $0x1;
	_ =	strace $0x80000046;
	[dreg:$0x1] =	wrdreg $0xFFFFFFFF  }
0xa9: {  	s28 =	simm.s32 $_size_execute0_lowered;
	s5 =	sadd.s32 s5, s6;
	[dreg:$0x0] =	wrdreg $0x0  }
0xaa: {  	s6 =	sshll.u32 s28, $0x1;
	[dreg:$0x2] =	wrdreg s5  }
0xab: {  	[dreg:$0x3] =	wrdreg s6  }
0xac: {  	[dreg:$0x4] =	wrdreg $0xC0  }
0xad: {  	_ =	task [dreg:s9], $0x5FFFF  }
0xae: {  	[dreg:$0x1] =	wrdreg $0xFFFFFFFF  }
0xaf: {  	[dreg:$0x0] =	wrdreg $0x60  }
0xb0: {  	[dreg:$0x2] =	wrdreg s2  }
0xb1: {  	[dreg:$0x3] =	wrdreg s19  }
0xb2: {  	[dreg:$0x4] =	wrdreg s4  }
0xb3: {  	[dreg:$0x5] =	wrdreg $0x9  }
0xb4: {  	_ =	task.clear_ibuf [dreg:s9], $0x6FFFF;
	_ =	strace $0x90000046  }
0xb5: {  	s29 =	simm.s32 $0x9;
	_ =	strace $0x80000048  }
0xb6: {  	_ =	swait.ge [sflag:s29], $0x1  }
0xb7: {  	[sflag:s29] =	ssyncadd.s32 $0xFFFFFFFF  }
0xb8: {  	_ =	strace $0x90000048  }
0xb9: {  	_ =	sfence  }
0xba: {  	s30 =	sld [smem:$0x0];
	_ =	sdelay $0x2  }
0xbb: {  	s31 =	sshll.u32 s1, $0xD;
	s1 =	sshrl.u32 s1, $0x2  }
0xbc: {  	s3 =	sand.u32 $0x4000, s31;
	s1 =	sadd.s32 s1, s30  }
0xbd: {  	s0 =	sor.u32 s3, s0;
	s1 =	sshll.u32 s1, $0x11  }
0xbe: {  	s0 =	sor.u32 s1, s0  }
0xbf: {  	s0 =	sadd.s32 $0x8F2B, s0  }
0xc0: {  	[sflag:s0] =	ssyncadd.remote.s32 $0x1  }
0xc1: {  	_ =	sfence.sel $0xFFFF  }
0xc2: {  	[dreg:$0x0] =	wrdreg $0xFFFFFFFF;
	(pc) =	sbr.abs _section_cstart, $3  }
0xc3: {  	[dreg:$0x1] =	wrdreg $0xFFFFFFFF  }
0xc4: {  	_ =	task.clear_ibuf [dreg:s9], $0x2FFFF;
	_ =	strace $0x9FFFFFFF  }
0xc5: {  	(tm) =	ssettm $0x7FFFFFFF  }
tec
execute0_lowered:
.L_overlay_start_1:
0x0: {  	(tag) =	ssettag $0x1  }
0x1: {  	s0 =	rddreg [dreg:$0x0]  }
0x2: {  	s2 =	rddreg [dreg:$0x1];
	s3 =	srdreg.scid  }
0x3: {  	s1 =	rddreg [dreg:$0x2];
	s5 =	sand.u32 $0x1, s3;
	s3 =	simm.s32 $0x0  }
0x4: {  	s6 =	stileid.u32;
	s24 =	simm.s32 $0x80;
	[smem:$0x7FF] =	sst s3  }
0x5: {  	s25 =	simm.s32 $0x200;
	_ =	strace $0x80000047;
	[dreg:$0x5] =	wrdreg s24  }
0x6: {  	s26 =	simm.s32 $0x12900;
	s10 =	simm.s32 $0x13900;
	[dreg:$0x6] =	wrdreg s25  }
0x7: {  	s12 =	simm.s32 $0x14100;
	s13 =	simm.s32 $0x14900;
	[dreg:$0x7] =	wrdreg s26  }
0x8: {  	s14 =	simm.s32 $0x15100;
	s17 =	simm.s32 $0x15900;
	[dreg:$0x9] =	wrdreg s10  }
0x9: {  	s18 =	simm.s32 $0x16100;
	s19 =	simm.s32 $0x16900;
	[dreg:$0xa] =	wrdreg s12  }
0xa: {  	s20 =	simm.s32 $0x17100;
	s21 =	simm.s32 $0x17900;
	[dreg:$0xb] =	wrdreg s13  }
0xb: {  	s28 =	simm.s32 $0x2;
	s29 =	simm.s32 $0x6;
	[dreg:$0xc] =	wrdreg s14  }
0xc: {  	s30 =	simm.s32 $0x3;
	s31 =	simm.s32 $0x7;
	[dreg:$0xd] =	wrdreg s17  }
0xd: {  	s4 =	sshll.u32 s6, $0x1;
	s6 =	sshrl.u32 s6, $0x2;
	[dreg:$0xe] =	wrdreg s18  }
0xe: {  	s4 =	sand.u32 $0x6, s4;
	s22 =	sshll.u32 s6, $0x4;
	[dreg:$0xf] =	wrdreg s19  }
0xf: {  	s23 =	ssub.s32 $0x2, s5;
	s6 =	smul.u32 $0x30000, s6;
	[dreg:$0x10] =	wrdreg s20  }
0x10: {  	s0 =	sadd.s32 s0, s22;
	[dreg:$0x11] =	wrdreg s21;
	s22 =	simm.s32 $0x18900  }
0x11: {  	s8 =	sor.u32 s5, s4;
	s24 =	simm.s32 $0x19900;
	[dreg:$0x12] =	wrdreg s22  }
0x12: {  	s5 =	sshrl.u32 s23, $0x1;
	s25 =	simm.s32 $0x1A100;
	[dreg:$0x14] =	wrdreg s24  }
0x13: {  	s4 =	sadd.s32 $0x100, s2;
	s26 =	simm.s32 $0x1A900;
	[dreg:$0x15] =	wrdreg s25  }
0x14: {  	s10 =	simm.s32 $0x1C100;
	s17 =	simm.s32 $0x1C900;
	[dreg:$0x16] =	wrdreg s26  }
0x15: {  	s18 =	simm.s32 $0x1D100;
	s19 =	simm.s32 $0x1D900;
	[dreg:$0x19] =	wrdreg s10  }
0x16: {  	s7 =	sshll.u32 s8, $0x7;
	s9 =	ssub.s32 s23, s5;
	[dreg:$0x1a] =	wrdreg s17  }
0x17: {  	s5 =	sadd.s32 $0x200, s2;
	s11 =	smul.u32 $0x6000, s8;
	[dreg:$0x1b] =	wrdreg s18  }
0x18: {  	s16 =	sadd.s32 s1, s6;
	s23 =	simm.s32 $0x19100;
	[dreg:$0x1c] =	wrdreg s19  }
0x19: {  	s15 =	smul.u32 $0x30000, s8;
	s10 =	simm.s32 $0x1;
	[dreg:$0x13] =	wrdreg s23  }
0x1a: {  	s17 =	simm.s32 $0x1900;
	s0 =	sadd.s32 s7, s0;
	[smem:$0x7FC] =	sst s16  }
0x1b: {  	s18 =	simm.s32 $0x2100;
	s7 =	simm.s32 $0x13100;
	[dreg:$0x4] =	wrdreg s0  }
0x1c: {  	s19 =	simm.s32 $0x2900;
	s8 =	smax.u32 s9, $0x1;
	[dreg:$0x8] =	wrdreg s7  }
0x1d: {  	s9 =	simm.s32 $0x1B900;
	s1 =	sor.u32 $0xC00, s11;
	[smem:$0x7F8] =	sst s11  }
0x1e: {  	s11 =	sor.u32 $0x1800, s11;
	s6 =	sshrl.u32 s15, $0x3;
	s7 =	simm.s32 $0x1B100  }
0x1f: {  	[dreg:$0x18] =	wrdreg s9;
	s12 =	sadd.s32 $0x2400, s6;
	s13 =	sadd.s32 $0x3000, s6  }
0x20: {  	s14 =	sadd.s32 $0x3C00, s6;
	s15 =	sadd.s32 $0x4800, s6;
	s6 =	sadd.s32 $0x5400, s6  }
0x21: {  	[dreg:$0x17] =	wrdreg s7;
	s20 =	sadd.s32 s16, s1;
	s21 =	sadd.s32 s16, s11  }
0x22: {  	s1 =	simm.s32 $0x8;
	s11 =	simm.s32 $0x6100;
	[dreg:$0x1d] =	wrdreg s20  }
0x23: {  	[dreg:$0x1e] =	wrdreg s21;
	s22 =	sadd.s32 s12, s16;
	s23 =	sadd.s32 s13, s16  }
0x24: {  	s24 =	sadd.s32 s14, s16;
	s25 =	sadd.s32 s15, s16;
	[dreg:$0x1f] =	wrdreg s22  }
0x25: {  	s26 =	sadd.s32 s6, s16;
	s16 =	simm.s32 $0x1100;
	[smem:$0x7F9] =	sst s23  }
0x26: {  	s20 =	simm.s32 $0x3100;
	s21 =	simm.s32 $0x3900;
	[smem:$0x7FA] =	sst s24  }
0x27: {  	v2 =	vlaneseq.u32;
	s12 =	simm.s32 $0x7900;
	s13 =	simm.s32 $0x8100;
	[smem:$0x7FB] =	sst s25  }
0x28: {  	vm0 =	vmmov $0xffff;
	v1 =	vshrl.u32 v2, $0x3;
	[smem:$0x7FD] =	sst s26;
	s22 =	simm.s32 $0x100;
	s23 =	simm.s32 $0x4100  }
0x29: {  	v0 =	vand.u32 $0x7, v2;
	v2 =	vor.u32 $0x8, v2;
	v1 =	vmul.u32 $0x8, v1;
	s24 =	simm.s32 $0x4900;
	s26 =	simm.s32 $0x5100;
	s25 =	simm.s32 $0x12100  }
.LBB2_1:
0x2a: {  	s7 =	rddreg [dreg:$0x4]  }
0x2b: {  	s14 =	rddreg [dreg:$0x5]  }
0x2c: {  	s15 =	rddreg [dreg:$0x6];
	s9 =	simm.s32 $0xB  }
0x2d: {  	[tilespmem:s3], [sflag:$0xB] =	stream.strided.gather [hbm4b:s7+s14], $0x100, s15, s14, $0x38;
	[tilespmem:$0x1E100] =	vst v63  }
0x2e: {  	_ =	swait.ge [sflag:s9], $0x100  }
0x2f: {  	[sflag:s9] =	ssyncset.done $0x0  }
0x30: {  	[sflag:s9] =	ssyncadd.s32 $0xFFFFFF00  }
0x31: {  	v3 =	vld [tilespmem:$0x0];
	_ =	sdelay $0x4  }
0x32: {  	v4 =	vshrl.u32 v3, $0x3  }
0x33: {  	v4 =	vmul.u32 $0x30, v4  }
0x34: {  	v3 =	vand.u32 $0x7, v3  }
0x35: {  	v3 =	vor.u32 v3, v4  }
0x36: {  	v4 =	vperm.xlane v3, v0;
	_ =	sdelay $0x1  }
0x37: {  	v4 =	vadd.s32 v1, v4;
	_ =	sdelay $0x3  }
0x38: {  	v3 =	vperm.xlane v3, v2  }
0x39: {  	[tilespmem:s22], [sflag:$0x1] =	stream.indirect_vreg.gather [hbm4b:s2+s3], $0x80, v4, vm0, $0xb8;
	[tilespmem:$0x1E100] =	vst v63  }
0x3a: {  	s15 =	simm.s32 $0x900;
	v3 =	vadd.s32 v1, v3  }
0x3b: {  	[tilespmem:s15], [sflag:$0x1] =	stream.indirect_vreg.gather [hbm4b:s4+s3], $0x80, v4, vm0, $0xb8;
	[tilespmem:$0x1E100] =	vst v63  }
0x3c: {  	_ = 	snop  }
0x3d: {  	[tilespmem:s16], [sflag:$0x1] =	stream.indirect_vreg.gather [hbm4b:s5+s3], $0x80, v4, vm0, $0xb8;
	[tilespmem:$0x1E100] =	vst v63  }
0x3e: {  	_ = 	snop  }
0x3f: {  	[tilespmem:s17], [sflag:$0x1] =	stream.indirect_vreg.gather [hbm4b:s2+s3], $0x80, v3, vm0, $0xb8;
	[tilespmem:$0x1E100] =	vst v63  }
0x40: {  	_ = 	snop  }
0x41: {  	[tilespmem:s18], [sflag:$0x1] =	stream.indirect_vreg.gather [hbm4b:s4+s3], $0x80, v3, vm0, $0xb8;
	[tilespmem:$0x1E100] =	vst v63  }
0x42: {  	_ = 	snop  }
0x43: {  	[tilespmem:s19], [sflag:$0x1] =	stream.indirect_vreg.gather [hbm4b:s5+s3], $0x80, v3, vm0, $0xb8;
	[tilespmem:$0x1E100] =	vst v63  }
0x44: {  	v3 =	vld [tilespmem:$0x10];
	_ =	sdelay $0x4  }
0x45: {  	v49 =	vshrl.u32 v3, $0x3  }
0x46: {  	v4 =	vmul.u32 $0x30, v49  }
0x47: {  	v3 =	vand.u32 $0x7, v3  }
0x48: {  	v3 =	vor.u32 v3, v4  }
0x49: {  	v4 =	vperm.xlane v3, v0;
	_ =	sdelay $0x1  }
0x4a: {  	v4 =	vadd.s32 v1, v4;
	_ =	sdelay $0x3  }
0x4b: {  	v3 =	vperm.xlane v3, v2  }
0x4c: {  	[tilespmem:s20], [sflag:$0x1] =	stream.indirect_vreg.gather [hbm4b:s2+s3], $0x80, v4, vm0, $0xb8;
	[tilespmem:$0x1E100] =	vst v63  }
0x4d: {  	v3 =	vadd.s32 v1, v3  }
0x4e: {  	[tilespmem:s21], [sflag:$0x1] =	stream.indirect_vreg.gather [hbm4b:s4+s3], $0x80, v4, vm0, $0xb8;
	[tilespmem:$0x1E100] =	vst v63  }
0x4f: {  	_ = 	snop  }
0x50: {  	[tilespmem:s23], [sflag:$0x1] =	stream.indirect_vreg.gather [hbm4b:s5+s3], $0x80, v4, vm0, $0xb8;
	[tilespmem:$0x1E100] =	vst v63  }
0x51: {  	_ = 	snop  }
0x52: {  	[tilespmem:s24], [sflag:$0x1] =	stream.indirect_vreg.gather [hbm4b:s2+s3], $0x80, v3, vm0, $0xb8;
	[tilespmem:$0x1E100] =	vst v63  }
0x53: {  	_ = 	snop  }
0x54: {  	[tilespmem:s26], [sflag:$0x1] =	stream.indirect_vreg.gather [hbm4b:s4+s3], $0x80, v3, vm0, $0xb8;
	[tilespmem:$0x1E100] =	vst v63  }
0x55: {  	s9 =	simm.s32 $0x5900  }
0x56: {  	[tilespmem:s9], [sflag:$0x1] =	stream.indirect_vreg.gather [hbm4b:s5+s3], $0x80, v3, vm0, $0xb8;
	[tilespmem:$0x1E100] =	vst v63  }
0x57: {  	v3 =	vld [tilespmem:$0x20];
	_ =	sdelay $0x4  }
0x58: {  	v50 =	vshrl.u32 v3, $0x3  }
0x59: {  	v4 =	vmul.u32 $0x30, v50  }
0x5a: {  	v3 =	vand.u32 $0x7, v3  }
0x5b: {  	v3 =	vor.u32 v3, v4  }
0x5c: {  	v4 =	vperm.xlane v3, v0;
	_ =	sdelay $0x1  }
0x5d: {  	v4 =	vadd.s32 v1, v4;
	_ =	sdelay $0x3  }
0x5e: {  	v3 =	vperm.xlane v3, v2  }
0x5f: {  	[tilespmem:s11], [sflag:$0x2] =	stream.indirect_vreg.gather [hbm4b:s2+s3], $0x80, v4, vm0, $0xb8;
	[tilespmem:$0x1E100] =	vst v63  }
0x60: {  	s0 =	simm.s32 $0x6900;
	v3 =	vadd.s32 v1, v3  }
0x61: {  	[tilespmem:s0], [sflag:$0x2] =	stream.indirect_vreg.gather [hbm4b:s4+s3], $0x80, v4, vm0, $0xb8;
	[tilespmem:$0x1E100] =	vst v63  }
0x62: {  	s14 =	simm.s32 $0x7100  }
0x63: {  	[tilespmem:s14], [sflag:$0x2] =	stream.indirect_vreg.gather [hbm4b:s5+s3], $0x80, v4, vm0, $0xb8;
	[tilespmem:$0x1E100] =	vst v63  }
0x64: {  	_ = 	snop  }
0x65: {  	[tilespmem:s12], [sflag:$0x2] =	stream.indirect_vreg.gather [hbm4b:s2+s3], $0x80, v3, vm0, $0xb8;
	[tilespmem:$0x1E100] =	vst v63  }
0x66: {  	_ = 	snop  }
0x67: {  	[tilespmem:s13], [sflag:$0x2] =	stream.indirect_vreg.gather [hbm4b:s4+s3], $0x80, v3, vm0, $0xb8;
	[tilespmem:$0x1E100] =	vst v63  }
0x68: {  	s6 =	simm.s32 $0x8900  }
0x69: {  	[tilespmem:s6], [sflag:$0x2] =	stream.indirect_vreg.gather [hbm4b:s5+s3], $0x80, v3, vm0, $0xb8;
	[tilespmem:$0x1E100] =	vst v63  }
0x6a: {  	v3 =	vld [tilespmem:$0x30];
	_ =	sdelay $0x4  }
0x6b: {  	v51 =	vshrl.u32 v3, $0x3  }
0x6c: {  	v4 =	vmul.u32 $0x30, v51  }
0x6d: {  	v3 =	vand.u32 $0x7, v3  }
0x6e: {  	v3 =	vor.u32 v3, v4  }
0x6f: {  	v4 =	vperm.xlane v3, v0;
	_ =	sdelay $0x1  }
0x70: {  	v4 =	vadd.s32 v1, v4;
	_ =	sdelay $0x3  }
0x71: {  	s7 =	simm.s32 $0x9100;
	v3 =	vperm.xlane v3, v2  }
0x72: {  	[tilespmem:s7], [sflag:$0x2] =	stream.indirect_vreg.gather [hbm4b:s2+s3], $0x80, v4, vm0, $0xb8;
	[tilespmem:$0x1E100] =	vst v63  }
0x73: {  	s14 =	simm.s32 $0x9900;
	v3 =	vadd.s32 v1, v3  }
0x74: {  	[tilespmem:s14], [sflag:$0x2] =	stream.indirect_vreg.gather [hbm4b:s4+s3], $0x80, v4, vm0, $0xb8;
	[tilespmem:$0x1E100] =	vst v63  }
0x75: {  	s6 =	simm.s32 $0xA100  }
0x76: {  	[tilespmem:s6], [sflag:$0x2] =	stream.indirect_vreg.gather [hbm4b:s5+s3], $0x80, v4, vm0, $0xb8;
	[tilespmem:$0x1E100] =	vst v63  }
0x77: {  	s7 =	simm.s32 $0xA900  }
0x78: {  	[tilespmem:s7], [sflag:$0x2] =	stream.indirect_vreg.gather [hbm4b:s2+s3], $0x80, v3, vm0, $0xb8;
	[tilespmem:$0x1E100] =	vst v63  }
0x79: {  	s14 =	simm.s32 $0xB100  }
0x7a: {  	[tilespmem:s14], [sflag:$0x2] =	stream.indirect_vreg.gather [hbm4b:s4+s3], $0x80, v3, vm0, $0xb8;
	[tilespmem:$0x1E100] =	vst v63  }
0x7b: {  	s6 =	simm.s32 $0xB900  }
0x7c: {  	[tilespmem:s6], [sflag:$0x2] =	stream.indirect_vreg.gather [hbm4b:s5+s3], $0x80, v3, vm0, $0xb8;
	[tilespmem:$0x1E100] =	vst v63  }
0x7d: {  	v3 =	vld [tilespmem:$0x40];
	_ =	sdelay $0x4  }
0x7e: {  	v52 =	vshrl.u32 v3, $0x3  }
0x7f: {  	v4 =	vmul.u32 $0x30, v52  }
0x80: {  	v3 =	vand.u32 $0x7, v3  }
0x81: {  	v3 =	vor.u32 v3, v4  }
0x82: {  	v4 =	vperm.xlane v3, v0;
	_ =	sdelay $0x1  }
0x83: {  	v4 =	vadd.s32 v1, v4;
	_ =	sdelay $0x3  }
0x84: {  	s0 =	simm.s32 $0xC100;
	v3 =	vperm.xlane v3, v2  }
0x85: {  	[tilespmem:s0], [sflag:$0x3] =	stream.indirect_vreg.gather [hbm4b:s2+s3], $0x80, v4, vm0, $0xb8;
	[tilespmem:$0x1E100] =	vst v63  }
0x86: {  	s6 =	simm.s32 $0xC900;
	v3 =	vadd.s32 v1, v3  }
0x87: {  	[tilespmem:s6], [sflag:$0x3] =	stream.indirect_vreg.gather [hbm4b:s4+s3], $0x80, v4, vm0, $0xb8;
	[tilespmem:$0x1E100] =	vst v63  }
0x88: {  	s7 =	simm.s32 $0xD100  }
0x89: {  	[tilespmem:s7], [sflag:$0x3] =	stream.indirect_vreg.gather [hbm4b:s5+s3], $0x80, v4, vm0, $0xb8;
	[tilespmem:$0x1E100] =	vst v63  }
0x8a: {  	s14 =	simm.s32 $0xD900  }
0x8b: {  	[tilespmem:s14], [sflag:$0x3] =	stream.indirect_vreg.gather [hbm4b:s2+s3], $0x80, v3, vm0, $0xb8;
	[tilespmem:$0x1E100] =	vst v63  }
0x8c: {  	s7 =	simm.s32 $0xE100  }
0x8d: {  	[tilespmem:s7], [sflag:$0x3] =	stream.indirect_vreg.gather [hbm4b:s4+s3], $0x80, v3, vm0, $0xb8;
	[tilespmem:$0x1E100] =	vst v63  }
0x8e: {  	s14 =	simm.s32 $0xE900  }
0x8f: {  	[tilespmem:s14], [sflag:$0x3] =	stream.indirect_vreg.gather [hbm4b:s5+s3], $0x80, v3, vm0, $0xb8;
	[tilespmem:$0x1E100] =	vst v63  }
0x90: {  	v3 =	vld [tilespmem:$0x50];
	_ =	sdelay $0x4  }
0x91: {  	v53 =	vshrl.u32 v3, $0x3  }
0x92: {  	v4 =	vmul.u32 $0x30, v53  }
0x93: {  	v3 =	vand.u32 $0x7, v3  }
0x94: {  	v3 =	vor.u32 v3, v4  }
0x95: {  	v4 =	vperm.xlane v3, v0;
	_ =	sdelay $0x1  }
0x96: {  	v4 =	vadd.s32 v1, v4;
	_ =	sdelay $0x3  }
0x97: {  	s7 =	simm.s32 $0xF100;
	v3 =	vperm.xlane v3, v2  }
0x98: {  	[tilespmem:s7], [sflag:$0x3] =	stream.indirect_vreg.gather [hbm4b:s2+s3], $0x80, v4, vm0, $0xb8;
	[tilespmem:$0x1E100] =	vst v63  }
0x99: {  	s14 =	simm.s32 $0xF900;
	v3 =	vadd.s32 v1, v3  }
0x9a: {  	[tilespmem:s14], [sflag:$0x3] =	stream.indirect_vreg.gather [hbm4b:s4+s3], $0x80, v4, vm0, $0xb8;
	[tilespmem:$0x1E100] =	vst v63  }
0x9b: {  	s7 =	simm.s32 $0x10100  }
0x9c: {  	[tilespmem:s7], [sflag:$0x3] =	stream.indirect_vreg.gather [hbm4b:s5+s3], $0x80, v4, vm0, $0xb8;
	[tilespmem:$0x1E100] =	vst v63  }
0x9d: {  	s14 =	simm.s32 $0x10900  }
0x9e: {  	[tilespmem:s14], [sflag:$0x3] =	stream.indirect_vreg.gather [hbm4b:s2+s3], $0x80, v3, vm0, $0xb8;
	[tilespmem:$0x1E100] =	vst v63  }
0x9f: {  	s7 =	simm.s32 $0x11100  }
0xa0: {  	[tilespmem:s7], [sflag:$0x3] =	stream.indirect_vreg.gather [hbm4b:s4+s3], $0x80, v3, vm0, $0xb8;
	[tilespmem:$0x1E100] =	vst v63  }
0xa1: {  	s14 =	simm.s32 $0x11900  }
0xa2: {  	[tilespmem:s14], [sflag:$0x3] =	stream.indirect_vreg.gather [hbm4b:s5+s3], $0x80, v3, vm0, $0xb8;
	[tilespmem:$0x1E100] =	vst v63  }
0xa3: {  	v3 =	vld [tilespmem:$0x60];
	_ =	sdelay $0x4  }
0xa4: {  	v54 =	vshrl.u32 v3, $0x3  }
0xa5: {  	v4 =	vmul.u32 $0x30, v54  }
0xa6: {  	v3 =	vand.u32 $0x7, v3  }
0xa7: {  	v3 =	vor.u32 v3, v4  }
0xa8: {  	v4 =	vperm.xlane v3, v0;
	_ =	sdelay $0x1  }
0xa9: {  	v4 =	vadd.s32 v1, v4;
	_ =	sdelay $0x3  }
0xaa: {  	v3 =	vperm.xlane v3, v2  }
0xab: {  	[tilespmem:s25], [sflag:$0x4] =	stream.indirect_vreg.gather [hbm4b:s2+s3], $0x80, v4, vm0, $0xb8;
	[tilespmem:$0x1E100] =	vst v63  }
0xac: {  	s6 =	rddreg [dreg:$0x7];
	v3 =	vadd.s32 v1, v3  }
0xad: {  	[tilespmem:s6], [sflag:$0x4] =	stream.indirect_vreg.gather [hbm4b:s4+s3], $0x80, v4, vm0, $0xb8;
	[tilespmem:$0x1E100] =	vst v63  }
0xae: {  	s14 =	rddreg [dreg:$0x8]  }
0xaf: {  	[tilespmem:s14], [sflag:$0x4] =	stream.indirect_vreg.gather [hbm4b:s5+s3], $0x80, v4, vm0, $0xb8;
	[tilespmem:$0x1E100] =	vst v63  }
0xb0: {  	s6 =	rddreg [dreg:$0x9]  }
0xb1: {  	[tilespmem:s6], [sflag:$0x4] =	stream.indirect_vreg.gather [hbm4b:s2+s3], $0x80, v3, vm0, $0xb8;
	[tilespmem:$0x1E100] =	vst v63  }
0xb2: {  	s14 =	rddreg [dreg:$0xa]  }
0xb3: {  	[tilespmem:s14], [sflag:$0x4] =	stream.indirect_vreg.gather [hbm4b:s4+s3], $0x80, v3, vm0, $0xb8;
	[tilespmem:$0x1E100] =	vst v63  }
0xb4: {  	s6 =	rddreg [dreg:$0xb]  }
0xb5: {  	[tilespmem:s6], [sflag:$0x4] =	stream.indirect_vreg.gather [hbm4b:s5+s3], $0x80, v3, vm0, $0xb8;
	[tilespmem:$0x1E100] =	vst v63  }
0xb6: {  	v3 =	vld [tilespmem:$0x70];
	_ =	sdelay $0x4  }
0xb7: {  	v55 =	vshrl.u32 v3, $0x3  }
0xb8: {  	v4 =	vmul.u32 $0x30, v55  }
0xb9: {  	v3 =	vand.u32 $0x7, v3  }
0xba: {  	v3 =	vor.u32 v3, v4  }
0xbb: {  	v4 =	vperm.xlane v3, v0;
	_ =	sdelay $0x1  }
0xbc: {  	v4 =	vadd.s32 v1, v4;
	_ =	sdelay $0x3  }
0xbd: {  	s14 =	rddreg [dreg:$0xc];
	v3 =	vperm.xlane v3, v2  }
0xbe: {  	[tilespmem:s14], [sflag:$0x4] =	stream.indirect_vreg.gather [hbm4b:s2+s3], $0x80, v4, vm0, $0xb8;
	[tilespmem:$0x1E100] =	vst v63  }
0xbf: {  	s6 =	rddreg [dreg:$0xd];
	v3 =	vadd.s32 v1, v3  }
0xc0: {  	[tilespmem:s6], [sflag:$0x4] =	stream.indirect_vreg.gather [hbm4b:s4+s3], $0x80, v4, vm0, $0xb8;
	[tilespmem:$0x1E100] =	vst v63  }
0xc1: {  	s7 =	rddreg [dreg:$0xe]  }
0xc2: {  	[tilespmem:s7], [sflag:$0x4] =	stream.indirect_vreg.gather [hbm4b:s5+s3], $0x80, v4, vm0, $0xb8;
	[tilespmem:$0x1E100] =	vst v63  }
0xc3: {  	s6 =	rddreg [dreg:$0xf]  }
0xc4: {  	[tilespmem:s6], [sflag:$0x4] =	stream.indirect_vreg.gather [hbm4b:s2+s3], $0x80, v3, vm0, $0xb8;
	[tilespmem:$0x1E100] =	vst v63  }
0xc5: {  	s7 =	rddreg [dreg:$0x10]  }
0xc6: {  	[tilespmem:s7], [sflag:$0x4] =	stream.indirect_vreg.gather [hbm4b:s4+s3], $0x80, v3, vm0, $0xb8;
	[tilespmem:$0x1E100] =	vst v63  }
0xc7: {  	s6 =	rddreg [dreg:$0x11]  }
0xc8: {  	[tilespmem:s6], [sflag:$0x4] =	stream.indirect_vreg.gather [hbm4b:s5+s3], $0x80, v3, vm0, $0xb8;
	[tilespmem:$0x1E100] =	vst v63  }
0xc9: {  	_ =	swait.ge [sflag:s10], $0x6000  }
0xca: {  	s14 =	sld [smem:$0x7F8]  }
0xcb: {  	s6 =	sld [smem:$0x7FC];
	_ =	sdelay $0x1  }
0xcc: {  	[sflag:s10] =	ssyncset.done $0x0  }
0xcd: {  	[sflag:s10] =	ssyncadd.s32 $0xFFFFA000;
	s7 =	sadd.s32 s14, s6  }
0xce: {  	[hbm4b:s7+s3] =	stream.linear.scatter [tilespmem:s22], [sflag:$0x6], $0x6000, $0x38;
	[tilespmem:$0x1E100] =	vst v63  }
0xcf: {  	v3 =	vld [tilespmem:$0x80];
	_ =	sdelay $0x4  }
0xd0: {  	v56 =	vshrl.u32 v3, $0x3  }
0xd1: {  	v4 =	vmul.u32 $0x30, v56  }
0xd2: {  	v3 =	vand.u32 $0x7, v3  }
0xd3: {  	v3 =	vor.u32 v3, v4  }
0xd4: {  	v4 =	vperm.xlane v3, v0;
	_ =	sdelay $0x1  }
0xd5: {  	v4 =	vadd.s32 v1, v4;
	_ =	sdelay $0x3  }
0xd6: {  	s6 =	simm.s32 $0x18100;
	v3 =	vperm.xlane v3, v2  }
0xd7: {  	[tilespmem:s6], [sflag:$0x5] =	stream.indirect_vreg.gather [hbm4b:s2+s3], $0x80, v4, vm0, $0xb8;
	[tilespmem:$0x1E100] =	vst v63  }
0xd8: {  	s7 =	rddreg [dreg:$0x12];
	v3 =	vadd.s32 v1, v3  }
0xd9: {  	[tilespmem:s7], [sflag:$0x5] =	stream.indirect_vreg.gather [hbm4b:s4+s3], $0x80, v4, vm0, $0xb8;
	[tilespmem:$0x1E100] =	vst v63  }
0xda: {  	s14 =	rddreg [dreg:$0x13]  }
0xdb: {  	[tilespmem:s14], [sflag:$0x5] =	stream.indirect_vreg.gather [hbm4b:s5+s3], $0x80, v4, vm0, $0xb8;
	[tilespmem:$0x1E100] =	vst v63  }
0xdc: {  	s7 =	rddreg [dreg:$0x14]  }
0xdd: {  	[tilespmem:s7], [sflag:$0x5] =	stream.indirect_vreg.gather [hbm4b:s2+s3], $0x80, v3, vm0, $0xb8;
	[tilespmem:$0x1E100] =	vst v63  }
0xde: {  	s14 =	rddreg [dreg:$0x15]  }
0xdf: {  	[tilespmem:s14], [sflag:$0x5] =	stream.indirect_vreg.gather [hbm4b:s4+s3], $0x80, v3, vm0, $0xb8;
	[tilespmem:$0x1E100] =	vst v63  }
0xe0: {  	s7 =	rddreg [dreg:$0x16]  }
0xe1: {  	[tilespmem:s7], [sflag:$0x5] =	stream.indirect_vreg.gather [hbm4b:s5+s3], $0x80, v3, vm0, $0xb8;
	[tilespmem:$0x1E100] =	vst v63  }
0xe2: {  	v3 =	vld [tilespmem:$0x90];
	_ =	sdelay $0x4  }
0xe3: {  	v57 =	vshrl.u32 v3, $0x3  }
0xe4: {  	v4 =	vmul.u32 $0x30, v57  }
0xe5: {  	v3 =	vand.u32 $0x7, v3  }
0xe6: {  	v3 =	vor.u32 v3, v4  }
0xe7: {  	v4 =	vperm.xlane v3, v0;
	_ =	sdelay $0x1  }
0xe8: {  	v4 =	vadd.s32 v1, v4;
	_ =	sdelay $0x3  }
0xe9: {  	s7 =	rddreg [dreg:$0x17];
	v3 =	vperm.xlane v3, v2  }
0xea: {  	[tilespmem:s7], [sflag:$0x5] =	stream.indirect_vreg.gather [hbm4b:s2+s3], $0x80, v4, vm0, $0xb8;
	[tilespmem:$0x1E100] =	vst v63  }
0xeb: {  	s14 =	rddreg [dreg:$0x18];
	v3 =	vadd.s32 v1, v3  }
0xec: {  	[tilespmem:s14], [sflag:$0x5] =	stream.indirect_vreg.gather [hbm4b:s4+s3], $0x80, v4, vm0, $0xb8;
	[tilespmem:$0x1E100] =	vst v63  }
0xed: {  	s7 =	rddreg [dreg:$0x19]  }
0xee: {  	[tilespmem:s7], [sflag:$0x5] =	stream.indirect_vreg.gather [hbm4b:s5+s3], $0x80, v4, vm0, $0xb8;
	[tilespmem:$0x1E100] =	vst v63  }
0xef: {  	s14 =	rddreg [dreg:$0x1a]  }
0xf0: {  	[tilespmem:s14], [sflag:$0x5] =	stream.indirect_vreg.gather [hbm4b:s2+s3], $0x80, v3, vm0, $0xb8;
	[tilespmem:$0x1E100] =	vst v63  }
0xf1: {  	s7 =	rddreg [dreg:$0x1b]  }
0xf2: {  	[tilespmem:s7], [sflag:$0x5] =	stream.indirect_vreg.gather [hbm4b:s4+s3], $0x80, v3, vm0, $0xb8;
	[tilespmem:$0x1E100] =	vst v63  }
0xf3: {  	s14 =	rddreg [dreg:$0x1c]  }
0xf4: {  	[tilespmem:s14], [sflag:$0x5] =	stream.indirect_vreg.gather [hbm4b:s5+s3], $0x80, v3, vm0, $0xb8;
	[tilespmem:$0x1E100] =	vst v63  }
0xf5: {  	_ =	swait.ge [sflag:s28], $0x6000  }
0xf6: {  	[sflag:s28] =	ssyncset.done $0x0  }
0xf7: {  	s14 =	rddreg [dreg:$0x1d];
	[sflag:s28] =	ssyncadd.s32 $0xFFFFA000  }
0xf8: {  	[hbm4b:s14+s3] =	stream.linear.scatter [tilespmem:s11], [sflag:$0x7], $0x6000, $0x38;
	[tilespmem:$0x1E100] =	vst v63  }
0xf9: {  	_ =	swait.ge [sflag:s29], $0x6000  }
0xfa: {  	[sflag:s29] =	ssyncset.done $0x0  }
0xfb: {  	[sflag:s29] =	ssyncadd.s32 $0xFFFFA000  }
0xfc: {  	v3 =	vld [tilespmem:$0xA0];
	_ =	sdelay $0x4  }
0xfd: {  	v58 =	vshrl.u32 v3, $0x3  }
0xfe: {  	v4 =	vmul.u32 $0x30, v58  }
0xff: {  	v3 =	vand.u32 $0x7, v3  }
0x100: {  	v3 =	vor.u32 v3, v4  }
0x101: {  	v4 =	vperm.xlane v3, v0;
	_ =	sdelay $0x1  }
0x102: {  	v4 =	vadd.s32 v1, v4;
	_ =	sdelay $0x3  }
0x103: {  	v3 =	vperm.xlane v3, v2  }
0x104: {  	[tilespmem:s22], [sflag:$0x1] =	stream.indirect_vreg.gather [hbm4b:s2+s3], $0x80, v4, vm0, $0xb8;
	[tilespmem:$0x1E100] =	vst v63  }
0x105: {  	v3 =	vadd.s32 v1, v3  }
0x106: {  	[tilespmem:s15], [sflag:$0x1] =	stream.indirect_vreg.gather [hbm4b:s4+s3], $0x80, v4, vm0, $0xb8;
	[tilespmem:$0x1E100] =	vst v63  }
0x107: {  	_ = 	snop  }
0x108: {  	[tilespmem:s16], [sflag:$0x1] =	stream.indirect_vreg.gather [hbm4b:s5+s3], $0x80, v4, vm0, $0xb8;
	[tilespmem:$0x1E100] =	vst v63  }
0x109: {  	_ = 	snop  }
0x10a: {  	[tilespmem:s17], [sflag:$0x1] =	stream.indirect_vreg.gather [hbm4b:s2+s3], $0x80, v3, vm0, $0xb8;
	[tilespmem:$0x1E100] =	vst v63  }
0x10b: {  	_ = 	snop  }
0x10c: {  	[tilespmem:s18], [sflag:$0x1] =	stream.indirect_vreg.gather [hbm4b:s4+s3], $0x80, v3, vm0, $0xb8;
	[tilespmem:$0x1E100] =	vst v63  }
0x10d: {  	_ = 	snop  }
0x10e: {  	[tilespmem:s19], [sflag:$0x1] =	stream.indirect_vreg.gather [hbm4b:s5+s3], $0x80, v3, vm0, $0xb8;
	[tilespmem:$0x1E100] =	vst v63  }
0x10f: {  	v3 =	vld [tilespmem:$0xB0];
	_ =	sdelay $0x4  }
0x110: {  	v59 =	vshrl.u32 v3, $0x3  }
0x111: {  	v4 =	vmul.u32 $0x30, v59  }
0x112: {  	v3 =	vand.u32 $0x7, v3  }
0x113: {  	v3 =	vor.u32 v3, v4  }
0x114: {  	v4 =	vperm.xlane v3, v0;
	_ =	sdelay $0x1  }
0x115: {  	v4 =	vadd.s32 v1, v4;
	_ =	sdelay $0x3  }
0x116: {  	v3 =	vperm.xlane v3, v2  }
0x117: {  	[tilespmem:s20], [sflag:$0x1] =	stream.indirect_vreg.gather [hbm4b:s2+s3], $0x80, v4, vm0, $0xb8;
	[tilespmem:$0x1E100] =	vst v63  }
0x118: {  	v3 =	vadd.s32 v1, v3  }
0x119: {  	[tilespmem:s21], [sflag:$0x1] =	stream.indirect_vreg.gather [hbm4b:s4+s3], $0x80, v4, vm0, $0xb8;
	[tilespmem:$0x1E100] =	vst v63  }
0x11a: {  	_ = 	snop  }
0x11b: {  	[tilespmem:s23], [sflag:$0x1] =	stream.indirect_vreg.gather [hbm4b:s5+s3], $0x80, v4, vm0, $0xb8;
	[tilespmem:$0x1E100] =	vst v63  }
0x11c: {  	_ = 	snop  }
0x11d: {  	[tilespmem:s24], [sflag:$0x1] =	stream.indirect_vreg.gather [hbm4b:s2+s3], $0x80, v3, vm0, $0xb8;
	[tilespmem:$0x1E100] =	vst v63  }
0x11e: {  	_ = 	snop  }
0x11f: {  	[tilespmem:s26], [sflag:$0x1] =	stream.indirect_vreg.gather [hbm4b:s4+s3], $0x80, v3, vm0, $0xb8;
	[tilespmem:$0x1E100] =	vst v63  }
0x120: {  	_ = 	snop  }
0x121: {  	[tilespmem:s9], [sflag:$0x1] =	stream.indirect_vreg.gather [hbm4b:s5+s3], $0x80, v3, vm0, $0xb8;
	[tilespmem:$0x1E100] =	vst v63  }
0x122: {  	_ =	swait.ge [sflag:s30], $0x6000  }
0x123: {  	[sflag:s30] =	ssyncset.done $0x0  }
0x124: {  	s9 =	rddreg [dreg:$0x1e];
	[sflag:s30] =	ssyncadd.s32 $0xFFFFA000  }
0x125: {  	[hbm4b:s9+s3] =	stream.linear.scatter [tilespmem:s0], [sflag:$0x8], $0x6000, $0x38;
	[tilespmem:$0x1E100] =	vst v63  }
0x126: {  	_ =	swait.ge [sflag:s31], $0x6000  }
0x127: {  	[sflag:s31] =	ssyncset.done $0x0  }
0x128: {  	[sflag:s31] =	ssyncadd.s32 $0xFFFFA000  }
0x129: {  	v3 =	vld [tilespmem:$0xC0];
	_ =	sdelay $0x4  }
0x12a: {  	v60 =	vshrl.u32 v3, $0x3  }
0x12b: {  	v4 =	vmul.u32 $0x30, v60  }
0x12c: {  	v3 =	vand.u32 $0x7, v3  }
0x12d: {  	v3 =	vor.u32 v3, v4  }
0x12e: {  	v4 =	vperm.xlane v3, v0;
	_ =	sdelay $0x1  }
0x12f: {  	v4 =	vadd.s32 v1, v4;
	_ =	sdelay $0x3  }
0x130: {  	v3 =	vperm.xlane v3, v2  }
0x131: {  	[tilespmem:s11], [sflag:$0x2] =	stream.indirect_vreg.gather [hbm4b:s2+s3], $0x80, v4, vm0, $0xb8;
	[tilespmem:$0x1E100] =	vst v63  }
0x132: {  	s14 =	simm.s32 $0x6900;
	v3 =	vadd.s32 v1, v3  }
0x133: {  	[tilespmem:s14], [sflag:$0x2] =	stream.indirect_vreg.gather [hbm4b:s4+s3], $0x80, v4, vm0, $0xb8;
	[tilespmem:$0x1E100] =	vst v63  }
0x134: {  	s15 =	simm.s32 $0x7100  }
0x135: {  	[tilespmem:s15], [sflag:$0x2] =	stream.indirect_vreg.gather [hbm4b:s5+s3], $0x80, v4, vm0, $0xb8;
	[tilespmem:$0x1E100] =	vst v63  }
0x136: {  	_ = 	snop  }
0x137: {  	[tilespmem:s12], [sflag:$0x2] =	stream.indirect_vreg.gather [hbm4b:s2+s3], $0x80, v3, vm0, $0xb8;
	[tilespmem:$0x1E100] =	vst v63  }
0x138: {  	_ = 	snop  }
0x139: {  	[tilespmem:s13], [sflag:$0x2] =	stream.indirect_vreg.gather [hbm4b:s4+s3], $0x80, v3, vm0, $0xb8;
	[tilespmem:$0x1E100] =	vst v63  }
0x13a: {  	s9 =	simm.s32 $0x8900  }
0x13b: {  	[tilespmem:s9], [sflag:$0x2] =	stream.indirect_vreg.gather [hbm4b:s5+s3], $0x80, v3, vm0, $0xb8;
	[tilespmem:$0x1E100] =	vst v63  }
0x13c: {  	v3 =	vld [tilespmem:$0xD0];
	_ =	sdelay $0x4  }
0x13d: {  	v61 =	vshrl.u32 v3, $0x3  }
0x13e: {  	v4 =	vmul.u32 $0x30, v61  }
0x13f: {  	v3 =	vand.u32 $0x7, v3  }
0x140: {  	v3 =	vor.u32 v3, v4  }
0x141: {  	v4 =	vperm.xlane v3, v0;
	_ =	sdelay $0x1  }
0x142: {  	v4 =	vadd.s32 v1, v4;
	_ =	sdelay $0x3  }
0x143: {  	s14 =	simm.s32 $0x9100;
	v3 =	vperm.xlane v3, v2  }
0x144: {  	[tilespmem:s14], [sflag:$0x2] =	stream.indirect_vreg.gather [hbm4b:s2+s3], $0x80, v4, vm0, $0xb8;
	[tilespmem:$0x1E100] =	vst v63  }
0x145: {  	s15 =	simm.s32 $0x9900;
	v3 =	vadd.s32 v1, v3  }
0x146: {  	[tilespmem:s15], [sflag:$0x2] =	stream.indirect_vreg.gather [hbm4b:s4+s3], $0x80, v4, vm0, $0xb8;
	[tilespmem:$0x1E100] =	vst v63  }
0x147: {  	s9 =	simm.s32 $0xA100  }
0x148: {  	[tilespmem:s9], [sflag:$0x2] =	stream.indirect_vreg.gather [hbm4b:s5+s3], $0x80, v4, vm0, $0xb8;
	[tilespmem:$0x1E100] =	vst v63  }
0x149: {  	s14 =	simm.s32 $0xA900  }
0x14a: {  	[tilespmem:s14], [sflag:$0x2] =	stream.indirect_vreg.gather [hbm4b:s2+s3], $0x80, v3, vm0, $0xb8;
	[tilespmem:$0x1E100] =	vst v63  }
0x14b: {  	s15 =	simm.s32 $0xB100  }
0x14c: {  	[tilespmem:s15], [sflag:$0x2] =	stream.indirect_vreg.gather [hbm4b:s4+s3], $0x80, v3, vm0, $0xb8;
	[tilespmem:$0x1E100] =	vst v63  }
0x14d: {  	s9 =	simm.s32 $0xB900;
	s14 =	simm.s32 $0x4  }
0x14e: {  	[tilespmem:s9], [sflag:$0x2] =	stream.indirect_vreg.gather [hbm4b:s5+s3], $0x80, v3, vm0, $0xb8;
	[tilespmem:$0x1E100] =	vst v63  }
0x14f: {  	_ =	swait.ge [sflag:s14], $0x6000  }
0x150: {  	[sflag:s14] =	ssyncset.done $0x0  }
0x151: {  	s15 =	rddreg [dreg:$0x1f];
	[sflag:s14] =	ssyncadd.s32 $0xFFFFA000  }
0x152: {  	[hbm4b:s15+s3] =	stream.linear.scatter [tilespmem:s25], [sflag:$0x9], $0x6000, $0x38;
	[tilespmem:$0x1E100] =	vst v63  }
0x153: {  	_ =	swait.ge [sflag:s1], $0x6000  }
0x154: {  	[sflag:s1] =	ssyncset.done $0x0  }
0x155: {  	[sflag:s1] =	ssyncadd.s32 $0xFFFFA000  }
0x156: {  	v3 =	vld [tilespmem:$0xE0];
	_ =	sdelay $0x4  }
0x157: {  	v62 =	vshrl.u32 v3, $0x3  }
0x158: {  	v4 =	vmul.u32 $0x30, v62  }
0x159: {  	v3 =	vand.u32 $0x7, v3  }
0x15a: {  	v3 =	vor.u32 v3, v4  }
0x15b: {  	v4 =	vperm.xlane v3, v0;
	_ =	sdelay $0x1  }
0x15c: {  	v4 =	vadd.s32 v1, v4;
	_ =	sdelay $0x3  }
0x15d: {  	v3 =	vperm.xlane v3, v2  }
0x15e: {  	[tilespmem:s0], [sflag:$0x3] =	stream.indirect_vreg.gather [hbm4b:s2+s3], $0x80, v4, vm0, $0xb8;
	[tilespmem:$0x1E100] =	vst v63  }
0x15f: {  	s14 =	simm.s32 $0xC900;
	v3 =	vadd.s32 v1, v3  }
0x160: {  	[tilespmem:s14], [sflag:$0x3] =	stream.indirect_vreg.gather [hbm4b:s4+s3], $0x80, v4, vm0, $0xb8;
	[tilespmem:$0x1E100] =	vst v63  }
0x161: {  	s15 =	simm.s32 $0xD100  }
0x162: {  	[tilespmem:s15], [sflag:$0x3] =	stream.indirect_vreg.gather [hbm4b:s5+s3], $0x80, v4, vm0, $0xb8;
	[tilespmem:$0x1E100] =	vst v63  }
0x163: {  	s9 =	simm.s32 $0xD900  }
0x164: {  	[tilespmem:s9], [sflag:$0x3] =	stream.indirect_vreg.gather [hbm4b:s2+s3], $0x80, v3, vm0, $0xb8;
	[tilespmem:$0x1E100] =	vst v63  }
0x165: {  	s14 =	simm.s32 $0xE100  }
0x166: {  	[tilespmem:s14], [sflag:$0x3] =	stream.indirect_vreg.gather [hbm4b:s4+s3], $0x80, v3, vm0, $0xb8;
	[tilespmem:$0x1E100] =	vst v63  }
0x167: {  	s15 =	simm.s32 $0xE900  }
0x168: {  	[tilespmem:s15], [sflag:$0x3] =	stream.indirect_vreg.gather [hbm4b:s5+s3], $0x80, v3, vm0, $0xb8;
	[tilespmem:$0x1E100] =	vst v63  }
0x169: {  	v3 =	vld [tilespmem:$0xF0];
	_ =	sdelay $0x4  }
0x16a: {  	v63 =	vshrl.u32 v3, $0x3  }
0x16b: {  	v4 =	vmul.u32 $0x30, v63  }
0x16c: {  	v3 =	vand.u32 $0x7, v3  }
0x16d: {  	v3 =	vor.u32 v3, v4  }
0x16e: {  	v4 =	vperm.xlane v3, v0;
	_ =	sdelay $0x1  }
0x16f: {  	v4 =	vadd.s32 v1, v4;
	_ =	sdelay $0x3  }
0x170: {  	s9 =	simm.s32 $0xF100;
	v3 =	vperm.xlane v3, v2  }
0x171: {  	[tilespmem:s9], [sflag:$0x3] =	stream.indirect_vreg.gather [hbm4b:s2+s3], $0x80, v4, vm0, $0xb8;
	[tilespmem:$0x1E100] =	vst v63  }
0x172: {  	s14 =	simm.s32 $0xF900;
	v3 =	vadd.s32 v1, v3  }
0x173: {  	[tilespmem:s14], [sflag:$0x3] =	stream.indirect_vreg.gather [hbm4b:s4+s3], $0x80, v4, vm0, $0xb8;
	[tilespmem:$0x1E100] =	vst v63  }
0x174: {  	s15 =	simm.s32 $0x10100  }
0x175: {  	[tilespmem:s15], [sflag:$0x3] =	stream.indirect_vreg.gather [hbm4b:s5+s3], $0x80, v4, vm0, $0xb8;
	[tilespmem:$0x1E100] =	vst v63  }
0x176: {  	s9 =	simm.s32 $0x10900  }
0x177: {  	[tilespmem:s9], [sflag:$0x3] =	stream.indirect_vreg.gather [hbm4b:s2+s3], $0x80, v3, vm0, $0xb8;
	[tilespmem:$0x1E100] =	vst v63  }
0x178: {  	s14 =	simm.s32 $0x11100  }
0x179: {  	[tilespmem:s14], [sflag:$0x3] =	stream.indirect_vreg.gather [hbm4b:s4+s3], $0x80, v3, vm0, $0xb8;
	[tilespmem:$0x1E100] =	vst v63  }
0x17a: {  	s7 =	simm.s32 $0x5;
	s15 =	simm.s32 $0x11900  }
0x17b: {  	[tilespmem:s15], [sflag:$0x3] =	stream.indirect_vreg.gather [hbm4b:s5+s3], $0x80, v3, vm0, $0xb8;
	[tilespmem:$0x1E100] =	vst v63  }
0x17c: {  	_ =	swait.ge [sflag:s7], $0x6000  }
0x17d: {  	s14 =	sld [smem:$0x7F9]  }
0x17e: {  	[sflag:s7] =	ssyncset.done $0x0  }
0x17f: {  	[sflag:s7] =	ssyncadd.s32 $0xFFFFA000  }
0x180: {  	[hbm4b:s14+s3] =	stream.linear.scatter [tilespmem:s6], [sflag:$0xA], $0x6000, $0x38;
	[tilespmem:$0x1E100] =	vst v63  }
0x181: {  	_ =	swait.ge [sflag:s10], $0x6000  }
0x182: {  	s15 =	sld [smem:$0x7FA]  }
0x183: {  	[sflag:s10] =	ssyncset.done $0x0  }
0x184: {  	[sflag:s10] =	ssyncadd.s32 $0xFFFFA000  }
0x185: {  	[hbm4b:s15+s3] =	stream.linear.scatter [tilespmem:s22], [sflag:$0x6], $0x6000, $0x38;
	[tilespmem:$0x1E100] =	vst v63  }
0x186: {  	_ =	swait.ge [sflag:s28], $0x6000  }
0x187: {  	s6 =	sld [smem:$0x7FB]  }
0x188: {  	[sflag:s28] =	ssyncset.done $0x0  }
0x189: {  	[sflag:s28] =	ssyncadd.s32 $0xFFFFA000  }
0x18a: {  	[hbm4b:s6+s3] =	stream.linear.scatter [tilespmem:s11], [sflag:$0x7], $0x6000, $0x38;
	[tilespmem:$0x1E100] =	vst v63  }
0x18b: {  	_ =	swait.ge [sflag:s30], $0x6000  }
0x18c: {  	s9 =	sld [smem:$0x7FD]  }
0x18d: {  	[sflag:s30] =	ssyncset.done $0x0  }
0x18e: {  	s14 =	simm.s32 $0x9;
	[sflag:s30] =	ssyncadd.s32 $0xFFFFA000  }
0x18f: {  	[hbm4b:s9+s3] =	stream.linear.scatter [tilespmem:s0], [sflag:$0x8], $0x6000, $0x38;
	[tilespmem:$0x1E100] =	vst v63  }
0x190: {  	_ =	swait.ge [sflag:s14], $0x6000  }
0x191: {  	[sflag:s14] =	ssyncset.done $0x0  }
0x192: {  	s15 =	simm.s32 $0xA;
	[sflag:s14] =	ssyncadd.s32 $0xFFFFA000  }
0x193: {  	_ =	swait.ge [sflag:s15], $0x6000  }
0x194: {  	[sflag:s15] =	ssyncset.done $0x0  }
0x195: {  	[sflag:s15] =	ssyncadd.s32 $0xFFFFA000  }
0x196: {  	_ =	swait.ge [sflag:s29], $0x6000  }
0x197: {  	[sflag:s29] =	ssyncset.done $0x0  }
0x198: {  	[sflag:s29] =	ssyncadd.s32 $0xFFFFA000  }
0x199: {  	p0 =	sne.s32 s8, $0x1;
	_ =	swait.ge [sflag:s31], $0x6000  }
.Ltmp0:
0x19a: {  	[sflag:s31] =	ssyncset.done $0x0;
	(pc) =	sbr.rel @p0 .LBB2_1-.Ltmp0, $4  }
0x19b: {  	[sflag:s31] =	ssyncadd.s32 $0xFFFFA000  }
0x19c: {  	_ =	swait.ge [sflag:s1], $0x6000  }
0x19d: {  	[sflag:s1] =	ssyncset.done $0x0  }
0x19e: {  	s8 =	sadd.s32 $0xFFFFFFFF, s8;
	[sflag:s1] =	ssyncadd.s32 $0xFFFFA000  }
0x19f: {  	_ =	sfence.sel $0x180000  }
0x1a0: {  	[bflag:$0x0] =	sbarrier.arrive $0xFFFF  }
0x1a1: {  	_ =	strace $0x90000047  }
0x1a2: {  	s0 =	stileid.u32;
	[bflag:$0x2] =	sbarrier.arrive $0xFFFF  }
0x1a3: {  	p0 =	sne.s32 s0, $0x0;
	s0 =	rddreg [dreg:$0x3]  }
0x1a4: {  	s0 =	sadd.s32 @!p0 $0x100000, s0  }
0x1a5: {  	[sflag:s0] =	ssyncadd.tile.s32 @!p0 $0x1;
	_ =	shalt  }
.Lfunc_end2:
_tile_overlayer_lowered:
.L_overlay_start_2:
0x1a6: {  	(tag) =	ssettag $0x2  }
0x1a7: {  	s0 =	rddreg [dreg:$0x0];
	s2 =	stileid.u32  }
0x1a8: {  	s1 =	rddreg [dreg:$0x1];
	p0 =	sne.s32 s2, $0x0  }
0x1a9: {  	s3 =	rddreg [dreg:$0x2];
	[bflag:$0x3] =	sbarrier.arrive $0xFFFF;
	s2 =	simm.s32 @!p0 $0x1C0B  }
0x1aa: {  	[timem:s3], [sflag:s2] =	dma.local @!p0 [hbm:s0], s1  }
0x1ab: {  	s0 =	simm.s32 @!p0 $0xB  }
0x1ac: {  	_ =	swait.ge @!p0 [sflag:s0], s1  }
0x1ad: {  	s1 =	ssub.s32 @!p0 $0x0, s1;
	[sflag:s0] =	ssyncset.done @!p0 $0x0  }
0x1ae: {  	[sflag:s0] =	ssyncadd.s32 @!p0 s1  }
0x1af: {  	[bflag:$0x3] =	sbarrier.arrive $0xFFFF  }
0x1b0: {  	_ =	shalt  }

</sc_bundles>
